<compile_context>
chip_gen: v7x
topology: tpu7x:2x2x1
jax: 0.10.2.dev20260603
libtpu: 0.0.44.dev20260713+nightly
codegen_flags: <defaults>
</compile_context>

<pallas_src>
import functools
import math

import jax
import jax.numpy as jnp
from jax import lax
from jax.experimental import pallas as pl
from jax.experimental.pallas import tpu as pltpu
from jax.experimental.pallas import tpu_sc as plsc

N = 10000
E = 320000
D_IN = 128
H = 256
G = 256
NC = 2
NS = 16
NW = NC * NS

ECHUNK = 128
EPW = 10240
EPAD = EPW * NW
ROWS = EPAD // ECHUNK
TPAD = 64
IOTILES = 10
IOROWS = N // IOTILES

_BN_SCALE = float(1.0 / math.sqrt(1.0 + 1e-5))

_mesh = plsc.VectorSubcoreMesh(core_axis_name="c", subcore_axis_name="s")


def _make_sc_agg(feature_split: bool):
  epw = EPAD // NS if feature_split else EPW
  ncpt = epw // ECHUNK

  @functools.partial(
      pl.kernel,
      out_type=jax.ShapeDtypeStruct((2 * N, D_IN), jnp.float32),
      mesh=_mesh,
      scratch_types=[
          pltpu.VMEM((ECHUNK,), jnp.int32),
          pltpu.VMEM((ECHUNK,), jnp.int32),
          pltpu.VMEM((ECHUNK,), jnp.int32),
          pltpu.VMEM((ECHUNK,), jnp.int32),
          pltpu.VMEM((ECHUNK, D_IN), jnp.float32),
          pltpu.VMEM((ECHUNK, D_IN), jnp.float32),
          pltpu.VMEM_SHARED((N, D_IN), jnp.float32),
          pltpu.SemaphoreType.DMA,
          pltpu.SemaphoreType.DMA,
          pltpu.SemaphoreType.DMA,
          pltpu.SemaphoreType.DMA,
          pltpu.SemaphoreType.DMA,
          pltpu.SemaphoreType.DMA,
      ],
  )
  def kern(table_hbm, srcf_hbm, dstf_hbm, zeros_hbm, out_hbm,
           src0_v, src1_v, dst0_v, dst1_v, rows0_v, rows1_v, acc_sh,
           gsem0, gsem1, ssem0, ssem1, dsem0, dsem1):
    c = lax.axis_index("c")
    s = lax.axis_index("s")
    bufs = ((rows0_v, src0_v, dst0_v, gsem0, ssem0, dsem0),
            (rows1_v, src1_v, dst1_v, gsem1, ssem1, dsem1))

    @pl.when(s < IOTILES)
    def _():
      pltpu.sync_copy(zeros_hbm.at[pl.ds(s * IOROWS, IOROWS)],
                      acc_sh.at[pl.ds(s * IOROWS, IOROWS)])

    if feature_split:
      ebase = c * EPAD + s * epw
      dbase = s * epw
    else:
      ebase = (c * NS + s) * epw
      dbase = ebase
    plsc.subcore_barrier()

    def istart_src(b, j):
      _, sv, _, _, ss, _ = bufs[b]
      pltpu.make_async_copy(
          srcf_hbm.at[pl.ds(ebase + j * ECHUNK, ECHUNK)], sv, ss).start()

    def iwait_src(b):
      _, sv, _, _, ss, _ = bufs[b]
      pltpu.make_async_copy(srcf_hbm.at[pl.ds(0, ECHUNK)], sv, ss).wait()

    def istart_dst(b, j):
      _, _, dv, _, _, ds_ = bufs[b]
      pltpu.make_async_copy(
          dstf_hbm.at[pl.ds(dbase + j * ECHUNK, ECHUNK)], dv, ds_).start()

    def iwait_dst(b):
      _, _, dv, _, _, ds_ = bufs[b]
      pltpu.make_async_copy(dstf_hbm.at[pl.ds(0, ECHUNK)], dv, ds_).wait()

    def gstart(b):
      buf, sv, _, gs, _, _ = bufs[b]
      pltpu.make_async_copy(table_hbm.at[sv], buf, gs).start()

    def gwait(b):
      buf, sv, _, gs, _, _ = bufs[b]
      pltpu.make_async_copy(table_hbm.at[sv], buf, gs).wait()

    def scat(b):
      buf, _, dv, _, _, _ = bufs[b]
      pltpu.sync_copy(buf, acc_sh.at[dv], add=True)

    for b in range(2):
      istart_src(b, b)
      istart_dst(b, b)
    for b in range(2):
      iwait_src(b)
      gstart(b)

    def body(i, carry):
      j0 = 2 * i
      for b in range(2):
        j = j0 + b
        gwait(b)

        @pl.when(j + 2 < ncpt)
        def _():
          istart_src(b, j + 2)

        iwait_dst(b)
        scat(b)

        @pl.when(j + 2 < ncpt)
        def _():
          istart_dst(b, j + 2)
          iwait_src(b)
          gstart(b)
      return carry

    lax.fori_loop(0, ncpt // 2, body, 0)
    plsc.subcore_barrier()

    @pl.when(s < IOTILES)
    def _():
      pltpu.sync_copy(acc_sh.at[pl.ds(s * IOROWS, IOROWS)],
                      out_hbm.at[pl.ds(c * N + s * IOROWS, IOROWS)])

  return kern


_sc_agg_edge_split = _make_sc_agg(feature_split=False)
_sc_agg_feat_split = _make_sc_agg(feature_split=True)


NP = 10240
RPW = NP // NW
RCHUNK = 64
ACC_WORDS = G * H


@functools.partial(
    pl.kernel,
    out_type=jax.ShapeDtypeStruct((NW * ACC_WORDS,), jnp.float32),
    mesh=_mesh,
    compiler_params=pltpu.CompilerParams(needs_layout_passes=False),
    scratch_types=[
        pltpu.VMEM((RPW,), jnp.int32),
        pltpu.VMEM((RCHUNK * H,), jnp.float32),
        pltpu.VMEM((ACC_WORDS,), jnp.float32),
    ],
)
def _sc_segmax(h2_hbm, ids_hbm, out_hbm, ids_v, rows_v, acc_v):
  c = lax.axis_index("c")
  s = lax.axis_index("s")
  wid = c * NS + s
  neg_inf = jnp.full((16,), -jnp.inf, jnp.float32)

  def init_body(k, carry):
    acc_v[pl.ds(k * 16, 16)] = neg_inf
    return carry
  lax.fori_loop(0, ACC_WORDS // 16, init_body, 0)

  pltpu.sync_copy(ids_hbm.at[pl.ds(wid * RPW, RPW)], ids_v)
  lane = lax.iota(jnp.int32, 16)

  def chunk_body(cc, carry):
    pltpu.sync_copy(
        h2_hbm.at[pl.ds((wid * RPW + cc * RCHUNK) * H, RCHUNK * H)], rows_v)

    def row_body(rl, carry2):
      rglob = cc * RCHUNK + rl
      gid = plsc.load_gather(ids_v, [jnp.full((16,), rglob, jnp.int32)])
      base = gid * H
      for j in range(H // 16):
        addr = base + (lane + j * 16)
        cur = plsc.load_gather(acc_v, [addr])
        vals = rows_v[pl.ds(rl * H + j * 16, 16)]
        plsc.store_scatter(acc_v, [addr], jnp.maximum(cur, vals))
      return carry2

    lax.fori_loop(0, RCHUNK, row_body, 0)
    return carry

  lax.fori_loop(0, RPW // RCHUNK, chunk_body, 0)
  pltpu.sync_copy(acc_v, out_hbm.at[pl.ds(wid * ACC_WORDS, ACC_WORDS)])


BR = 1000
NBLK = N // BR


def _tc_layer1_body(p0, p1, nf, w0, b0, wr0, br0, g0, be0, out):
  agg = p0[...] + p1[...]
  x = jnp.maximum(
      jnp.dot(agg, w0[...], preferred_element_type=jnp.float32) + b0[...], 0.0)
  r = jnp.maximum(
      jnp.dot(nf[...], wr0[...], preferred_element_type=jnp.float32) + br0[...],
      0.0)
  h = (x + r) * (g0[...] * _BN_SCALE) + be0[...]
  out[0] = h[:, :D_IN]
  out[1] = h[:, D_IN:]


def _tc_layer2_body(q0, q1, h1a, h1b, w1, b1, wr1, br1, g1, be1, wa, ba, ids,
                    h2_out, ssum_out):
  i = pl.program_id(0)
  agg = jnp.dot(jnp.concatenate([q0[...], q1[...]], axis=1), w1[...],
                preferred_element_type=jnp.float32)
  res = jnp.dot(jnp.concatenate([h1a[...], h1b[...]], axis=1), wr1[...],
                preferred_element_type=jnp.float32)
  x = jnp.maximum(agg + b1[...], 0.0)
  r = jnp.maximum(res + br1[...], 0.0)
  h2 = (x + r) * (g1[...] * _BN_SCALE) + be1[...]
  h2_out[...] = h2
  w = jax.nn.sigmoid(
      jnp.dot(h2, wa[...], preferred_element_type=jnp.float32) + ba[0, 0])
  wh = w * h2
  idvec = ids[0, 0, :]
  onehot = (idvec[:, None] == lax.broadcasted_iota(jnp.int32, (BR, G), 1)
            ).astype(jnp.float32)
  part = lax.dot_general(onehot, wh, (((0,), (0,)), ((), ())),
                         preferred_element_type=jnp.float32, precision=lax.Precision.HIGHEST)

  @pl.when(i == 0)
  def _():
    ssum_out[...] = jnp.zeros_like(ssum_out)

  ssum_out[...] += part


def _tc_combine_body(partials, ssum, out):
  out[:, :H] = ssum[...]
  out[:, H:] = jnp.max(partials[...], axis=0)


def kernel(node_feats, edge_index, graph_ids, W0, b0, Wr0, br0, gamma0, beta0,
           W1, b1, Wr1, br1, gamma1, beta1, Wa, ba):
  src = edge_index[0]
  dst = edge_index[1]
  zeros = jnp.zeros((N, D_IN), jnp.float32)

  ar = jnp.arange(EPAD - E, dtype=jnp.int32)
  srcf = jnp.concatenate([src, N + ar % TPAD])
  dstf = jnp.concatenate([dst, ar % N])
  pad2 = 2 * N + ar % TPAD
  srcf2 = jnp.concatenate([src, pad2, src + N, pad2])
  nf_pad = jnp.pad(node_feats, ((0, TPAD), (0, 0)))

  p = _sc_agg_edge_split(nf_pad, srcf, dstf, zeros)

  row_blk = lambda i: (i, 0)
  vec_blk = lambda i: (0, 0)
  h1 = pl.pallas_call(
      _tc_layer1_body,
      grid=(NBLK,),
      in_specs=[
          pl.BlockSpec((BR, D_IN), row_blk),
          pl.BlockSpec((BR, D_IN), lambda i: (i + NBLK, 0)),
          pl.BlockSpec((BR, D_IN), row_blk),
          pl.BlockSpec((D_IN, H), vec_blk),
          pl.BlockSpec((1, H), vec_blk),
          pl.BlockSpec((D_IN, H), vec_blk),
          pl.BlockSpec((1, H), vec_blk),
          pl.BlockSpec((1, H), vec_blk),
          pl.BlockSpec((1, H), vec_blk),
      ],
      out_specs=pl.BlockSpec((2, BR, D_IN), lambda i: (0, i, 0)),
      out_shape=jax.ShapeDtypeStruct((2, N, D_IN), jnp.float32),
  )(p, p, node_feats, W0, b0.reshape(1, H), Wr0, br0.reshape(1, H),
    gamma0.reshape(1, H), beta0.reshape(1, H))
  h1flat = h1.reshape(2 * N, D_IN)

  q = _sc_agg_feat_split(jnp.pad(h1flat, ((0, TPAD), (0, 0))), srcf2, dstf,
                         zeros)

  ids3 = graph_ids.reshape(NBLK, 1, BR)
  h2, ssum = pl.pallas_call(
      _tc_layer2_body,
      grid=(NBLK,),
      in_specs=[
          pl.BlockSpec((BR, D_IN), row_blk),
          pl.BlockSpec((BR, D_IN), lambda i: (i + NBLK, 0)),
          pl.BlockSpec((BR, D_IN), row_blk),
          pl.BlockSpec((BR, D_IN), lambda i: (i + NBLK, 0)),
          pl.BlockSpec((H, H), vec_blk),
          pl.BlockSpec((1, H), vec_blk),
          pl.BlockSpec((H, H), vec_blk),
          pl.BlockSpec((1, H), vec_blk),
          pl.BlockSpec((1, H), vec_blk),
          pl.BlockSpec((1, H), vec_blk),
          pl.BlockSpec((H, 1), vec_blk),
          pl.BlockSpec((1, 1), vec_blk),
          pl.BlockSpec((1, 1, BR), lambda i: (i, 0, 0)),
      ],
      out_specs=[
          pl.BlockSpec((BR, H), row_blk),
          pl.BlockSpec((G, H), vec_blk),
      ],
      out_shape=[
          jax.ShapeDtypeStruct((N, H), jnp.float32),
          jax.ShapeDtypeStruct((G, H), jnp.float32),
      ],
  )(q, q, h1flat, h1flat, W1, b1.reshape(1, H), Wr1, br1.reshape(1, H),
    gamma1.reshape(1, H), beta1.reshape(1, H), Wa,
    ba.reshape(1, 1), ids3)

  h2p = jnp.pad(h2, ((0, NP - N), (0, 0)), constant_values=-jnp.inf)
  idsp = jnp.pad(graph_ids, (0, NP - N))
  partials = _sc_segmax(h2p.reshape(NP * H), idsp)

  out = pl.pallas_call(
      _tc_combine_body,
      grid=(1,),
      in_specs=[
          pl.BlockSpec((NW, G, H), lambda i: (0, 0, 0)),
          pl.BlockSpec((G, H), lambda i: (0, 0)),
      ],
      out_specs=pl.BlockSpec((G, 2 * H), lambda i: (0, 0)),
      out_shape=jax.ShapeDtypeStruct((G, 2 * H), jnp.float32),
  )(partials.reshape(NW, G, H), ssum)
  return out

# --- scband reference (transcript-rebuilt; emitter-appended) ---
"""Pipeline reference for scband-gnnmultitask-52570399703335 (READ-ONLY COPY).

The authoritative reference and input builder live on the scoring server;
editing this copy changes nothing except your own understanding.
"""

import jax, jax.numpy as jnp
import numpy as np

N = 10000
E = 320000
D_IN = 128
HID1 = 256
HID2 = 256
G = 256


def setup_inputs(seed: int = 0) -> dict:
    key = jax.random.key(seed)
    ks = jax.random.split(key, 16)
    inp = {}
    inp["node_feats"] = jax.random.normal(ks[0], (N, D_IN), dtype=jnp.float32)
    inp["edge_index"] = jax.random.randint(ks[1], (2, E), 0, N, dtype=jnp.int32)
    inp["graph_ids"] = jnp.sort(jax.random.randint(ks[2], (N,), 0, G, dtype=jnp.int32))
    # GCNLayer 0 (GraphConv weight, residual linear, batchnorm affine params)
    inp["W0"] = jax.random.normal(ks[3], (D_IN, HID1), dtype=jnp.float32) * 0.05
    inp["b0"] = jnp.zeros((HID1,), dtype=jnp.float32)
    inp["Wr0"] = jax.random.normal(ks[4], (D_IN, HID1), dtype=jnp.float32) * 0.05
    inp["br0"] = jnp.zeros((HID1,), dtype=jnp.float32)
    inp["gamma0"] = jnp.ones((HID1,), dtype=jnp.float32)
    inp["beta0"] = jnp.zeros((HID1,), dtype=jnp.float32)
    # GCNLayer 1
    inp["W1"] = jax.random.normal(ks[5], (HID1, HID2), dtype=jnp.float32) * 0.05
    inp["b1"] = jnp.zeros((HID2,), dtype=jnp.float32)
    inp["Wr1"] = jax.random.normal(ks[6], (HID1, HID2), dtype=jnp.float32) * 0.05
    inp["br1"] = jnp.zeros((HID2,), dtype=jnp.float32)
    inp["gamma1"] = jnp.ones((HID2,), dtype=jnp.float32)
    inp["beta1"] = jnp.zeros((HID2,), dtype=jnp.float32)
    # WeightAndSum readout: Linear(HID2, 1) + sigmoid
    inp["Wa"] = jax.random.normal(ks[7], (HID2, 1), dtype=jnp.float32) * 0.05
    inp["ba"] = jnp.zeros((1,), dtype=jnp.float32)
    return inp


def _gcn_layer(h, src, dst, W, b, Wr, br, gamma, beta):
    # GraphConv(norm='none', activation=relu): aggregate neighbor sum, then affine
    agg = jnp.zeros_like(h).at[dst].add(h[src])
    new = jax.nn.relu(agg @ W + b)
    # residual branch: relu(Linear(h))
    res = jax.nn.relu(h @ Wr + br)
    new = new + res
    # batchnorm in eval mode (running_mean=0, running_var=1)
    new = gamma * new / jnp.sqrt(1.0 + 1e-5) + beta
    return new


def reference(node_feats, edge_index, graph_ids, W0, b0, Wr0, br0, gamma0, beta0,
              W1, b1, Wr1, br1, gamma1, beta1, Wa, ba):
    src = edge_index[0]
    dst = edge_index[1]
    h = _gcn_layer(node_feats, src, dst, W0, b0, Wr0, br0, gamma0, beta0)
    h = _gcn_layer(h, src, dst, W1, b1, Wr1, br1, gamma1, beta1)
    # WeightAndSum readout: per-node sigmoid gate, segment-sum per graph
    w = jax.nn.sigmoid(h @ Wa + ba)
    h_g_sum = jax.ops.segment_sum(w * h, graph_ids, num_segments=G)
    # max_nodes readout: per-graph max over node features
    h_g_max = jax.ops.segment_max(h, graph_ids, num_segments=G)
    h_g = jnp.concatenate([h_g_sum, h_g_max], axis=1)
    # relu=False, normalization=False, task=None -> return graph embedding
    return h_g

if __name__ == "__main__":
    import jax
    _d = setup_inputs()
    print(jax.jit(kernel)(*tuple(_d.values())))

</pallas_src>

<mosaic_0001>
#map = affine_map<(d0, d1) -> (0)>
module attributes {stable_mosaic.version = 14 : i64} {
  func.func @_sc_segmax(%arg0: i32, %arg1: i32, %arg2: memref<2621440xf32, #tpu.memory_space<hbm>>, %arg3: memref<10240xi32, #tpu.memory_space<hbm>>, %arg4: memref<2097152xf32, #tpu.memory_space<hbm>>, %arg5: memref<320xi32, #tpu.memory_space<vmem>>, %arg6: memref<16384xf32, #tpu.memory_space<vmem>>, %arg7: memref<65536xf32, #tpu.memory_space<vmem>>) attributes {dimension_semantics = [#tpu.dimension_semantics<core_parallel>, #tpu.dimension_semantics<subcore_parallel>], iteration_bounds = array<i64: 2, 16>, scalar_prefetch = 0 : i64, scratch_operands = 3 : i64, tpu.core_type = #tpu.core_type<sc_vector_subcore>, window_params = [{transform_indices = #map}, {transform_indices = #map}, {transform_indices = #map}]} {
    %mul3A = arith.constant 16 : i32
    %mul3A_0 = arith.muli %arg0, %mul3A : i32
    %add3A = arith.addi %mul3A_0, %arg1 : i32
    %broadcast_in_dim3A = arith.constant 0xFF800000 : f32
    %broadcast_in_dim3A_1 = vector.broadcast %broadcast_in_dim3A : f32 to vector<16xf32>
    %scan3A = arith.constant 0 : i32
    %scan3A_2 = arith.constant 0 : i32
    %scan3A_3 = arith.constant 4096 : i32
    %scan3A_4 = arith.addi %scan3A_2, %scan3A_3 : i32
    %scan3A_5 = arith.constant 1 : i32
    scf.for %scan3A_17 = %scan3A_2 to %scan3A_4 step %scan3A_5  : i32 {
      %mul3A_18 = arith.constant 16 : i32
      %mul3A_19 = arith.muli %scan3A_17, %mul3A_18 : i32
      %swap3A = arith.index_cast %mul3A_19 : i32 to index
      %swap3A_20 = tpu.vector_load %arg7[%swap3A] {strides = array<i32>} : memref<65536xf32, #tpu.memory_space<vmem>>, vector<16xf32>,
      tpu.vector_store %arg7[%swap3A], %broadcast_in_dim3A_1 {strides = array<i32>} : memref<65536xf32, #tpu.memory_space<vmem>>, vector<16xf32>,
    }
    %scan3A_6 = arith.constant 4096 : i32
    %mul3A_7 = arith.constant 320 : i32
    %mul3A_8 = arith.muli %add3A, %mul3A_7 : i32
    "tpu.region"() ({
      %run_scoped3A = tpu.sem_alloc : memref<!tpu.dma_semaphore, #tpu.memory_space<semaphore_mem>>
      %dma_start3A = tpu.memref_slice %arg3[%mul3A_8] : memref<10240xi32, #tpu.memory_space<hbm>> -> memref<320xi32, #tpu.memory_space<hbm>>
      %dma_start3A_17 = tpu.memref_slice %arg3[%mul3A_8] : memref<10240xi32, #tpu.memory_space<hbm>> -> memref<320xi32, #tpu.memory_space<hbm>>
      tpu.enqueue_dma source(%dma_start3A_17 : memref<320xi32, #tpu.memory_space<hbm>>) target(%arg5 : memref<320xi32, #tpu.memory_space<vmem>>) target_semaphore(%run_scoped3A : memref<!tpu.dma_semaphore, #tpu.memory_space<semaphore_mem>>)
      %dma_wait3A = tpu.memref_slice %arg3[%mul3A_8] : memref<10240xi32, #tpu.memory_space<hbm>> -> memref<320xi32, #tpu.memory_space<hbm>>
      %dma_wait3A_18 = tpu.memref_slice %arg3[%mul3A_8] : memref<10240xi32, #tpu.memory_space<hbm>> -> memref<320xi32, #tpu.memory_space<hbm>>
      tpu.wait_dma2 semaphore(%run_scoped3A : memref<!tpu.dma_semaphore, #tpu.memory_space<semaphore_mem>>) src(%dma_wait3A_18 : memref<320xi32, #tpu.memory_space<hbm>>) dst(%arg5 : memref<320xi32, #tpu.memory_space<vmem>>)
      tpu.yield
    }) : () -> ()
    %iota3A = tpu.iota {dimensions = array<i32: 0>} : vector<16xi32>
    %scan3A_9 = arith.constant 0 : i32
    %scan3A_10 = arith.constant 0 : i32
    %scan3A_11 = arith.constant 5 : i32
    %scan3A_12 = arith.addi %scan3A_10, %scan3A_11 : i32
    %scan3A_13 = arith.constant 1 : i32
    scf.for %scan3A_17 = %scan3A_10 to %scan3A_12 step %scan3A_13  : i32 {
      %mul3A_18 = arith.constant 320 : i32
      %mul3A_19 = arith.muli %add3A, %mul3A_18 : i32
      %mul3A_20 = arith.constant 64 : i32
      %mul3A_21 = arith.muli %scan3A_17, %mul3A_20 : i32
      %add3A_22 = arith.addi %mul3A_19, %mul3A_21 : i32
      %mul3A_23 = arith.constant 256 : i32
      %mul3A_24 = arith.muli %add3A_22, %mul3A_23 : i32
      "tpu.region"() ({
        %run_scoped3A = tpu.sem_alloc : memref<!tpu.dma_semaphore, #tpu.memory_space<semaphore_mem>>
        %dma_start3A = tpu.memref_slice %arg2[%mul3A_24] : memref<2621440xf32, #tpu.memory_space<hbm>> -> memref<16384xf32, #tpu.memory_space<hbm>>
        %dma_start3A_31 = tpu.memref_slice %arg2[%mul3A_24] : memref<2621440xf32, #tpu.memory_space<hbm>> -> memref<16384xf32, #tpu.memory_space<hbm>>
        tpu.enqueue_dma source(%dma_start3A_31 : memref<16384xf32, #tpu.memory_space<hbm>>) target(%arg6 : memref<16384xf32, #tpu.memory_space<vmem>>) target_semaphore(%run_scoped3A : memref<!tpu.dma_semaphore, #tpu.memory_space<semaphore_mem>>)
        %dma_wait3A = tpu.memref_slice %arg2[%mul3A_24] : memref<2621440xf32, #tpu.memory_space<hbm>> -> memref<16384xf32, #tpu.memory_space<hbm>>
        %dma_wait3A_32 = tpu.memref_slice %arg2[%mul3A_24] : memref<2621440xf32, #tpu.memory_space<hbm>> -> memref<16384xf32, #tpu.memory_space<hbm>>
        tpu.wait_dma2 semaphore(%run_scoped3A : memref<!tpu.dma_semaphore, #tpu.memory_space<semaphore_mem>>) src(%dma_wait3A_32 : memref<16384xf32, #tpu.memory_space<hbm>>) dst(%arg6 : memref<16384xf32, #tpu.memory_space<vmem>>)
        tpu.yield
      }) : () -> ()
      %scan3A_25 = arith.constant 0 : i32
      %scan3A_26 = arith.constant 0 : i32
      %scan3A_27 = arith.constant 64 : i32
      %scan3A_28 = arith.addi %scan3A_26, %scan3A_27 : i32
      %scan3A_29 = arith.constant 1 : i32
      scf.for %scan3A_31 = %scan3A_26 to %scan3A_28 step %scan3A_29  : i32 {
        %mul3A_32 = arith.constant 64 : i32
        %mul3A_33 = arith.muli %scan3A_17, %mul3A_32 : i32
        %add3A_34 = arith.addi %mul3A_33, %scan3A_31 : i32
        %broadcast_in_dim3A_35 = vector.broadcast %add3A_34 : i32 to vector<16xi32>
        %gather3A = tpu.vector_load_idx %arg5[%broadcast_in_dim3A_35] : memref<320xi32, #tpu.memory_space<vmem>>[vector<16xi32>], vector<16xi32>,
        %mul3A_36 = arith.constant 256 : i32
        %mul3A_37 = vector.broadcast %mul3A_36 : i32 to vector<16xi32>
        %mul3A_38 = arith.muli %gather3A, %mul3A_37 : vector<16xi32>
        %add3A_39 = arith.constant 0 : i32
        %add3A_40 = vector.broadcast %add3A_39 : i32 to vector<16xi32>
        %add3A_41 = arith.addi %iota3A, %add3A_40 : vector<16xi32>
        %add3A_42 = arith.addi %mul3A_38, %add3A_41 : vector<16xi32>
        %gather3A_43 = tpu.vector_load_idx %arg7[%add3A_42] : memref<65536xf32, #tpu.memory_space<vmem>>[vector<16xi32>], vector<16xf32>,
        %mul3A_44 = arith.constant 256 : i32
        %mul3A_45 = arith.muli %scan3A_31, %mul3A_44 : i32
        %add3A_46 = arith.constant 0 : i32
        %add3A_47 = arith.addi %mul3A_45, %add3A_46 : i32
        %get3A = arith.index_cast %add3A_47 : i32 to index
        %get3A_48 = tpu.vector_load %arg6[%get3A] {strides = array<i32>} : memref<16384xf32, #tpu.memory_space<vmem>>, vector<16xf32>,
        %max3A = arith.maximumf %gather3A_43, %get3A_48 : vector<16xf32>
        tpu.vector_store_idx %arg7[%add3A_42], %max3A : memref<65536xf32, #tpu.memory_space<vmem>>[vector<16xi32>], vector<16xf32>,
        %add3A_49 = arith.constant 16 : i32
        %add3A_50 = vector.broadcast %add3A_49 : i32 to vector<16xi32>
        %add3A_51 = arith.addi %iota3A, %add3A_50 : vector<16xi32>
        %add3A_52 = arith.addi %mul3A_38, %add3A_51 : vector<16xi32>
        %gather3A_53 = tpu.vector_load_idx %arg7[%add3A_52] : memref<65536xf32, #tpu.memory_space<vmem>>[vector<16xi32>], vector<16xf32>,
        %mul3A_54 = arith.constant 256 : i32
        %mul3A_55 = arith.muli %scan3A_31, %mul3A_54 : i32
        %add3A_56 = arith.constant 16 : i32
        %add3A_57 = arith.addi %mul3A_55, %add3A_56 : i32
        %get3A_58 = arith.index_cast %add3A_57 : i32 to index
        %get3A_59 = tpu.vector_load %arg6[%get3A_58] {strides = array<i32>} : memref<16384xf32, #tpu.memory_space<vmem>>, vector<16xf32>,
        %max3A_60 = arith.maximumf %gather3A_53, %get3A_59 : vector<16xf32>
        tpu.vector_store_idx %arg7[%add3A_52], %max3A_60 : memref<65536xf32, #tpu.memory_space<vmem>>[vector<16xi32>], vector<16xf32>,
        %add3A_61 = arith.constant 32 : i32
        %add3A_62 = vector.broadcast %add3A_61 : i32 to vector<16xi32>
        %add3A_63 = arith.addi %iota3A, %add3A_62 : vector<16xi32>
        %add3A_64 = arith.addi %mul3A_38, %add3A_63 : vector<16xi32>
        %gather3A_65 = tpu.vector_load_idx %arg7[%add3A_64] : memref<65536xf32, #tpu.memory_space<vmem>>[vector<16xi32>], vector<16xf32>,
        %mul3A_66 = arith.constant 256 : i32
        %mul3A_67 = arith.muli %scan3A_31, %mul3A_66 : i32
        %add3A_68 = arith.constant 32 : i32
        %add3A_69 = arith.addi %mul3A_67, %add3A_68 : i32
        %get3A_70 = arith.index_cast %add3A_69 : i32 to index
        %get3A_71 = tpu.vector_load %arg6[%get3A_70] {strides = array<i32>} : memref<16384xf32, #tpu.memory_space<vmem>>, vector<16xf32>,
        %max3A_72 = arith.maximumf %gather3A_65, %get3A_71 : vector<16xf32>
        tpu.vector_store_idx %arg7[%add3A_64], %max3A_72 : memref<65536xf32, #tpu.memory_space<vmem>>[vector<16xi32>], vector<16xf32>,
        %add3A_73 = arith.constant 48 : i32
        %add3A_74 = vector.broadcast %add3A_73 : i32 to vector<16xi32>
        %add3A_75 = arith.addi %iota3A, %add3A_74 : vector<16xi32>
        %add3A_76 = arith.addi %mul3A_38, %add3A_75 : vector<16xi32>
        %gather3A_77 = tpu.vector_load_idx %arg7[%add3A_76] : memref<65536xf32, #tpu.memory_space<vmem>>[vector<16xi32>], vector<16xf32>,
        %mul3A_78 = arith.constant 256 : i32
        %mul3A_79 = arith.muli %scan3A_31, %mul3A_78 : i32
        %add3A_80 = arith.constant 48 : i32
        %add3A_81 = arith.addi %mul3A_79, %add3A_80 : i32
        %get3A_82 = arith.index_cast %add3A_81 : i32 to index
        %get3A_83 = tpu.vector_load %arg6[%get3A_82] {strides = array<i32>} : memref<16384xf32, #tpu.memory_space<vmem>>, vector<16xf32>,
        %max3A_84 = arith.maximumf %gather3A_77, %get3A_83 : vector<16xf32>
        tpu.vector_store_idx %arg7[%add3A_76], %max3A_84 : memref<65536xf32, #tpu.memory_space<vmem>>[vector<16xi32>], vector<16xf32>,
        %add3A_85 = arith.constant 64 : i32
        %add3A_86 = vector.broadcast %add3A_85 : i32 to vector<16xi32>
        %add3A_87 = arith.addi %iota3A, %add3A_86 : vector<16xi32>
        %add3A_88 = arith.addi %mul3A_38, %add3A_87 : vector<16xi32>
        %gather3A_89 = tpu.vector_load_idx %arg7[%add3A_88] : memref<65536xf32, #tpu.memory_space<vmem>>[vector<16xi32>], vector<16xf32>,
        %mul3A_90 = arith.constant 256 : i32
        %mul3A_91 = arith.muli %scan3A_31, %mul3A_90 : i32
        %add3A_92 = arith.constant 64 : i32
        %add3A_93 = arith.addi %mul3A_91, %add3A_92 : i32
        %get3A_94 = arith.index_cast %add3A_93 : i32 to index
        %get3A_95 = tpu.vector_load %arg6[%get3A_94] {strides = array<i32>} : memref<16384xf32, #tpu.memory_space<vmem>>, vector<16xf32>,
        %max3A_96 = arith.maximumf %gather3A_89, %get3A_95 : vector<16xf32>
        tpu.vector_store_idx %arg7[%add3A_88], %max3A_96 : memref<65536xf32, #tpu.memory_space<vmem>>[vector<16xi32>], vector<16xf32>,
        %add3A_97 = arith.constant 80 : i32
        %add3A_98 = vector.broadcast %add3A_97 : i32 to vector<16xi32>
        %add3A_99 = arith.addi %iota3A, %add3A_98 : vector<16xi32>
        %add3A_100 = arith.addi %mul3A_38, %add3A_99 : vector<16xi32>
        %gather3A_101 = tpu.vector_load_idx %arg7[%add3A_100] : memref<65536xf32, #tpu.memory_space<vmem>>[vector<16xi32>], vector<16xf32>,
        %mul3A_102 = arith.constant 256 : i32
        %mul3A_103 = arith.muli %scan3A_31, %mul3A_102 : i32
        %add3A_104 = arith.constant 80 : i32
        %add3A_105 = arith.addi %mul3A_103, %add3A_104 : i32
        %get3A_106 = arith.index_cast %add3A_105 : i32 to index
        %get3A_107 = tpu.vector_load %arg6[%get3A_106] {strides = array<i32>} : memref<16384xf32, #tpu.memory_space<vmem>>, vector<16xf32>,
        %max3A_108 = arith.maximumf %gather3A_101, %get3A_107 : vector<16xf32>
        tpu.vector_store_idx %arg7[%add3A_100], %max3A_108 : memref<65536xf32, #tpu.memory_space<vmem>>[vector<16xi32>], vector<16xf32>,
        %add3A_109 = arith.constant 96 : i32
        %add3A_110 = vector.broadcast %add3A_109 : i32 to vector<16xi32>
        %add3A_111 = arith.addi %iota3A, %add3A_110 : vector<16xi32>
        %add3A_112 = arith.addi %mul3A_38, %add3A_111 : vector<16xi32>
        %gather3A_113 = tpu.vector_load_idx %arg7[%add3A_112] : memref<65536xf32, #tpu.memory_space<vmem>>[vector<16xi32>], vector<16xf32>,
        %mul3A_114 = arith.constant 256 : i32
        %mul3A_115 = arith.muli %scan3A_31, %mul3A_114 : i32
        %add3A_116 = arith.constant 96 : i32
        %add3A_117 = arith.addi %mul3A_115, %add3A_116 : i32
        %get3A_118 = arith.index_cast %add3A_117 : i32 to index
        %get3A_119 = tpu.vector_load %arg6[%get3A_118] {strides = array<i32>} : memref<16384xf32, #tpu.memory_space<vmem>>, vector<16xf32>,
        %max3A_120 = arith.maximumf %gather3A_113, %get3A_119 : vector<16xf32>
        tpu.vector_store_idx %arg7[%add3A_112], %max3A_120 : memref<65536xf32, #tpu.memory_space<vmem>>[vector<16xi32>], vector<16xf32>,
        %add3A_121 = arith.constant 112 : i32
        %add3A_122 = vector.broadcast %add3A_121 : i32 to vector<16xi32>
        %add3A_123 = arith.addi %iota3A, %add3A_122 : vector<16xi32>
        %add3A_124 = arith.addi %mul3A_38, %add3A_123 : vector<16xi32>
        %gather3A_125 = tpu.vector_load_idx %arg7[%add3A_124] : memref<65536xf32, #tpu.memory_space<vmem>>[vector<16xi32>], vector<16xf32>,
        %mul3A_126 = arith.constant 256 : i32
        %mul3A_127 = arith.muli %scan3A_31, %mul3A_126 : i32
        %add3A_128 = arith.constant 112 : i32
        %add3A_129 = arith.addi %mul3A_127, %add3A_128 : i32
        %get3A_130 = arith.index_cast %add3A_129 : i32 to index
        %get3A_131 = tpu.vector_load %arg6[%get3A_130] {strides = array<i32>} : memref<16384xf32, #tpu.memory_space<vmem>>, vector<16xf32>,
        %max3A_132 = arith.maximumf %gather3A_125, %get3A_131 : vector<16xf32>
        tpu.vector_store_idx %arg7[%add3A_124], %max3A_132 : memref<65536xf32, #tpu.memory_space<vmem>>[vector<16xi32>], vector<16xf32>,
        %add3A_133 = arith.constant 128 : i32
        %add3A_134 = vector.broadcast %add3A_133 : i32 to vector<16xi32>
        %add3A_135 = arith.addi %iota3A, %add3A_134 : vector<16xi32>
        %add3A_136 = arith.addi %mul3A_38, %add3A_135 : vector<16xi32>
        %gather3A_137 = tpu.vector_load_idx %arg7[%add3A_136] : memref<65536xf32, #tpu.memory_space<vmem>>[vector<16xi32>], vector<16xf32>,
        %mul3A_138 = arith.constant 256 : i32
        %mul3A_139 = arith.muli %scan3A_31, %mul3A_138 : i32
        %add3A_140 = arith.constant 128 : i32
        %add3A_141 = arith.addi %mul3A_139, %add3A_140 : i32
        %get3A_142 = arith.index_cast %add3A_141 : i32 to index
        %get3A_143 = tpu.vector_load %arg6[%get3A_142] {strides = array<i32>} : memref<16384xf32, #tpu.memory_space<vmem>>, vector<16xf32>,
        %max3A_144 = arith.maximumf %gather3A_137, %get3A_143 : vector<16xf32>
        tpu.vector_store_idx %arg7[%add3A_136], %max3A_144 : memref<65536xf32, #tpu.memory_space<vmem>>[vector<16xi32>], vector<16xf32>,
        %add3A_145 = arith.constant 144 : i32
        %add3A_146 = vector.broadcast %add3A_145 : i32 to vector<16xi32>
        %add3A_147 = arith.addi %iota3A, %add3A_146 : vector<16xi32>
        %add3A_148 = arith.addi %mul3A_38, %add3A_147 : vector<16xi32>
        %gather3A_149 = tpu.vector_load_idx %arg7[%add3A_148] : memref<65536xf32, #tpu.memory_space<vmem>>[vector<16xi32>], vector<16xf32>,
        %mul3A_150 = arith.constant 256 : i32
        %mul3A_151 = arith.muli %scan3A_31, %mul3A_150 : i32
        %add3A_152 = arith.constant 144 : i32
        %add3A_153 = arith.addi %mul3A_151, %add3A_152 : i32
        %get3A_154 = arith.index_cast %add3A_153 : i32 to index
        %get3A_155 = tpu.vector_load %arg6[%get3A_154] {strides = array<i32>} : memref<16384xf32, #tpu.memory_space<vmem>>, vector<16xf32>,
        %max3A_156 = arith.maximumf %gather3A_149, %get3A_155 : vector<16xf32>
        tpu.vector_store_idx %arg7[%add3A_148], %max3A_156 : memref<65536xf32, #tpu.memory_space<vmem>>[vector<16xi32>], vector<16xf32>,
        %add3A_157 = arith.constant 160 : i32
        %add3A_158 = vector.broadcast %add3A_157 : i32 to vector<16xi32>
        %add3A_159 = arith.addi %iota3A, %add3A_158 : vector<16xi32>
        %add3A_160 = arith.addi %mul3A_38, %add3A_159 : vector<16xi32>
        %gather3A_161 = tpu.vector_load_idx %arg7[%add3A_160] : memref<65536xf32, #tpu.memory_space<vmem>>[vector<16xi32>], vector<16xf32>,
        %mul3A_162 = arith.constant 256 : i32
        %mul3A_163 = arith.muli %scan3A_31, %mul3A_162 : i32
        %add3A_164 = arith.constant 160 : i32
        %add3A_165 = arith.addi %mul3A_163, %add3A_164 : i32
        %get3A_166 = arith.index_cast %add3A_165 : i32 to index
        %get3A_167 = tpu.vector_load %arg6[%get3A_166] {strides = array<i32>} : memref<16384xf32, #tpu.memory_space<vmem>>, vector<16xf32>,
        %max3A_168 = arith.maximumf %gather3A_161, %get3A_167 : vector<16xf32>
        tpu.vector_store_idx %arg7[%add3A_160], %max3A_168 : memref<65536xf32, #tpu.memory_space<vmem>>[vector<16xi32>], vector<16xf32>,
        %add3A_169 = arith.constant 176 : i32
        %add3A_170 = vector.broadcast %add3A_169 : i32 to vector<16xi32>
        %add3A_171 = arith.addi %iota3A, %add3A_170 : vector<16xi32>
        %add3A_172 = arith.addi %mul3A_38, %add3A_171 : vector<16xi32>
        %gather3A_173 = tpu.vector_load_idx %arg7[%add3A_172] : memref<65536xf32, #tpu.memory_space<vmem>>[vector<16xi32>], vector<16xf32>,
        %mul3A_174 = arith.constant 256 : i32
        %mul3A_175 = arith.muli %scan3A_31, %mul3A_174 : i32
        %add3A_176 = arith.constant 176 : i32
        %add3A_177 = arith.addi %mul3A_175, %add3A_176 : i32
        %get3A_178 = arith.index_cast %add3A_177 : i32 to index
        %get3A_179 = tpu.vector_load %arg6[%get3A_178] {strides = array<i32>} : memref<16384xf32, #tpu.memory_space<vmem>>, vector<16xf32>,
        %max3A_180 = arith.maximumf %gather3A_173, %get3A_179 : vector<16xf32>
        tpu.vector_store_idx %arg7[%add3A_172], %max3A_180 : memref<65536xf32, #tpu.memory_space<vmem>>[vector<16xi32>], vector<16xf32>,
        %add3A_181 = arith.constant 192 : i32
        %add3A_182 = vector.broadcast %add3A_181 : i32 to vector<16xi32>
        %add3A_183 = arith.addi %iota3A, %add3A_182 : vector<16xi32>
        %add3A_184 = arith.addi %mul3A_38, %add3A_183 : vector<16xi32>
        %gather3A_185 = tpu.vector_load_idx %arg7[%add3A_184] : memref<65536xf32, #tpu.memory_space<vmem>>[vector<16xi32>], vector<16xf32>,
        %mul3A_186 = arith.constant 256 : i32
        %mul3A_187 = arith.muli %scan3A_31, %mul3A_186 : i32
        %add3A_188 = arith.constant 192 : i32
        %add3A_189 = arith.addi %mul3A_187, %add3A_188 : i32
        %get3A_190 = arith.index_cast %add3A_189 : i32 to index
        %get3A_191 = tpu.vector_load %arg6[%get3A_190] {strides = array<i32>} : memref<16384xf32, #tpu.memory_space<vmem>>, vector<16xf32>,
        %max3A_192 = arith.maximumf %gather3A_185, %get3A_191 : vector<16xf32>
        tpu.vector_store_idx %arg7[%add3A_184], %max3A_192 : memref<65536xf32, #tpu.memory_space<vmem>>[vector<16xi32>], vector<16xf32>,
        %add3A_193 = arith.constant 208 : i32
        %add3A_194 = vector.broadcast %add3A_193 : i32 to vector<16xi32>
        %add3A_195 = arith.addi %iota3A, %add3A_194 : vector<16xi32>
        %add3A_196 = arith.addi %mul3A_38, %add3A_195 : vector<16xi32>
        %gather3A_197 = tpu.vector_load_idx %arg7[%add3A_196] : memref<65536xf32, #tpu.memory_space<vmem>>[vector<16xi32>], vector<16xf32>,
        %mul3A_198 = arith.constant 256 : i32
        %mul3A_199 = arith.muli %scan3A_31, %mul3A_198 : i32
        %add3A_200 = arith.constant 208 : i32
        %add3A_201 = arith.addi %mul3A_199, %add3A_200 : i32
        %get3A_202 = arith.index_cast %add3A_201 : i32 to index
        %get3A_203 = tpu.vector_load %arg6[%get3A_202] {strides = array<i32>} : memref<16384xf32, #tpu.memory_space<vmem>>, vector<16xf32>,
        %max3A_204 = arith.maximumf %gather3A_197, %get3A_203 : vector<16xf32>
        tpu.vector_store_idx %arg7[%add3A_196], %max3A_204 : memref<65536xf32, #tpu.memory_space<vmem>>[vector<16xi32>], vector<16xf32>,
        %add3A_205 = arith.constant 224 : i32
        %add3A_206 = vector.broadcast %add3A_205 : i32 to vector<16xi32>
        %add3A_207 = arith.addi %iota3A, %add3A_206 : vector<16xi32>
        %add3A_208 = arith.addi %mul3A_38, %add3A_207 : vector<16xi32>
        %gather3A_209 = tpu.vector_load_idx %arg7[%add3A_208] : memref<65536xf32, #tpu.memory_space<vmem>>[vector<16xi32>], vector<16xf32>,
        %mul3A_210 = arith.constant 256 : i32
        %mul3A_211 = arith.muli %scan3A_31, %mul3A_210 : i32
        %add3A_212 = arith.constant 224 : i32
        %add3A_213 = arith.addi %mul3A_211, %add3A_212 : i32
        %get3A_214 = arith.index_cast %add3A_213 : i32 to index
        %get3A_215 = tpu.vector_load %arg6[%get3A_214] {strides = array<i32>} : memref<16384xf32, #tpu.memory_space<vmem>>, vector<16xf32>,
        %max3A_216 = arith.maximumf %gather3A_209, %get3A_215 : vector<16xf32>
        tpu.vector_store_idx %arg7[%add3A_208], %max3A_216 : memref<65536xf32, #tpu.memory_space<vmem>>[vector<16xi32>], vector<16xf32>,
        %add3A_217 = arith.constant 240 : i32
        %add3A_218 = vector.broadcast %add3A_217 : i32 to vector<16xi32>
        %add3A_219 = arith.addi %iota3A, %add3A_218 : vector<16xi32>
        %add3A_220 = arith.addi %mul3A_38, %add3A_219 : vector<16xi32>
        %gather3A_221 = tpu.vector_load_idx %arg7[%add3A_220] : memref<65536xf32, #tpu.memory_space<vmem>>[vector<16xi32>], vector<16xf32>,
        %mul3A_222 = arith.constant 256 : i32
        %mul3A_223 = arith.muli %scan3A_31, %mul3A_222 : i32
        %add3A_224 = arith.constant 240 : i32
        %add3A_225 = arith.addi %mul3A_223, %add3A_224 : i32
        %get3A_226 = arith.index_cast %add3A_225 : i32 to index
        %get3A_227 = tpu.vector_load %arg6[%get3A_226] {strides = array<i32>} : memref<16384xf32, #tpu.memory_space<vmem>>, vector<16xf32>,
        %max3A_228 = arith.maximumf %gather3A_221, %get3A_227 : vector<16xf32>
        tpu.vector_store_idx %arg7[%add3A_220], %max3A_228 : memref<65536xf32, #tpu.memory_space<vmem>>[vector<16xi32>], vector<16xf32>,
      }
      %scan3A_30 = arith.constant 64 : i32
    }
    %scan3A_14 = arith.constant 5 : i32
    %mul3A_15 = arith.constant 65536 : i32
    %mul3A_16 = arith.muli %add3A, %mul3A_15 : i32
    "tpu.region"() ({
      %run_scoped3A = tpu.sem_alloc : memref<!tpu.dma_semaphore, #tpu.memory_space<semaphore_mem>>
      %dma_start3A = tpu.memref_slice %arg4[%mul3A_16] : memref<2097152xf32, #tpu.memory_space<hbm>> -> memref<65536xf32, #tpu.memory_space<hbm>>
      %dma_start3A_17 = tpu.memref_slice %arg4[%mul3A_16] : memref<2097152xf32, #tpu.memory_space<hbm>> -> memref<65536xf32, #tpu.memory_space<hbm>>
      tpu.enqueue_dma source(%arg7 : memref<65536xf32, #tpu.memory_space<vmem>>) target(%dma_start3A_17 : memref<65536xf32, #tpu.memory_space<hbm>>) target_semaphore(%run_scoped3A : memref<!tpu.dma_semaphore, #tpu.memory_space<semaphore_mem>>)
      %dma_wait3A = tpu.memref_slice %arg4[%mul3A_16] : memref<2097152xf32, #tpu.memory_space<hbm>> -> memref<65536xf32, #tpu.memory_space<hbm>>
      %dma_wait3A_18 = tpu.memref_slice %arg4[%mul3A_16] : memref<2097152xf32, #tpu.memory_space<hbm>> -> memref<65536xf32, #tpu.memory_space<hbm>>
      tpu.wait_dma2 semaphore(%run_scoped3A : memref<!tpu.dma_semaphore, #tpu.memory_space<semaphore_mem>>) src(%arg7 : memref<65536xf32, #tpu.memory_space<vmem>>) dst(%dma_wait3A_18 : memref<65536xf32, #tpu.memory_space<hbm>>)
      tpu.yield
    }) : () -> ()
    return
  }
}

#map = affine_map<(d0, d1) -> (0, 0)>
#map1 = affine_map<(d0, d1) -> (0)>
module attributes {stable_mosaic.version = 14 : i64} {
  func.func @kern(%arg0: i32, %arg1: i32, %arg2: memref<10064x128xf32, #tpu.memory_space<hbm>>, %arg3: memref<327680xi32, #tpu.memory_space<hbm>>, %arg4: memref<327680xi32, #tpu.memory_space<hbm>>, %arg5: memref<10000x128xf32, #tpu.memory_space<hbm>>, %arg6: memref<20000x128xf32, #tpu.memory_space<hbm>>, %arg7: memref<128xi32, #tpu.memory_space<vmem>>, %arg8: memref<128xi32, #tpu.memory_space<vmem>>, %arg9: memref<128xi32, #tpu.memory_space<vmem>>, %arg10: memref<128xi32, #tpu.memory_space<vmem>>, %arg11: memref<128x128xf32, #tpu.memory_space<vmem>>, %arg12: memref<128x128xf32, #tpu.memory_space<vmem>>, %arg13: memref<10000x128xf32, #tpu.memory_space<vmem_shared>>, %arg14: memref<!tpu.dma_semaphore, #tpu.memory_space<semaphore_mem>>, %arg15: memref<!tpu.dma_semaphore, #tpu.memory_space<semaphore_mem>>, %arg16: memref<!tpu.dma_semaphore, #tpu.memory_space<semaphore_mem>>, %arg17: memref<!tpu.dma_semaphore, #tpu.memory_space<semaphore_mem>>, %arg18: memref<!tpu.dma_semaphore, #tpu.memory_space<semaphore_mem>>, %arg19: memref<!tpu.dma_semaphore, #tpu.memory_space<semaphore_mem>>) attributes {dimension_semantics = [#tpu.dimension_semantics<core_parallel>, #tpu.dimension_semantics<subcore_parallel>], iteration_bounds = array<i64: 2, 16>, scalar_prefetch = 0 : i64, scratch_operands = 13 : i64, tpu.core_type = #tpu.core_type<sc_vector_subcore>, window_params = [{transform_indices = #map}, {transform_indices = #map1}, {transform_indices = #map1}, {transform_indices = #map}, {transform_indices = #map}]} {
    %lt3A = arith.constant 10 : i32
    %lt3A_0 = arith.cmpi slt, %arg1, %lt3A : i32
    %convert_element_type3A = arith.extui %lt3A_0 : i1 to i32
    %cond3A = arith.constant 0 : i32
    %cond3A_1 = arith.cmpi ne, %convert_element_type3A, %cond3A : i32
    scf.if %cond3A_1 {
      %mul3A_44 = arith.constant 1000 : i32
      %mul3A_45 = arith.muli %arg1, %mul3A_44 : i32
      %mul3A_46 = arith.constant 1000 : i32
      %mul3A_47 = arith.muli %arg1, %mul3A_46 : i32
      "tpu.region"() ({
        %run_scoped3A = tpu.sem_alloc : memref<!tpu.dma_semaphore, #tpu.memory_space<semaphore_mem>>
        %dma_start3A_48 = arith.constant 0 : i32
        %dma_start3A_49 = tpu.memref_slice %arg13[%mul3A_47, %dma_start3A_48] : memref<10000x128xf32, #tpu.memory_space<vmem_shared>> -> memref<1000x128xf32, #tpu.memory_space<vmem_shared>>
        %dma_start3A_50 = arith.constant 0 : i32
        %dma_start3A_51 = tpu.memref_slice %arg5[%mul3A_45, %dma_start3A_50] : memref<10000x128xf32, #tpu.memory_space<hbm>> -> memref<1000x128xf32, #tpu.memory_space<hbm>>
        tpu.enqueue_dma source(%dma_start3A_51 : memref<1000x128xf32, #tpu.memory_space<hbm>>) target(%dma_start3A_49 : memref<1000x128xf32, #tpu.memory_space<vmem_shared>>) target_semaphore(%run_scoped3A : memref<!tpu.dma_semaphore, #tpu.memory_space<semaphore_mem>>)
        %dma_wait3A_52 = arith.constant 0 : i32
        %dma_wait3A_53 = tpu.memref_slice %arg13[%mul3A_47, %dma_wait3A_52] : memref<10000x128xf32, #tpu.memory_space<vmem_shared>> -> memref<1000x128xf32, #tpu.memory_space<vmem_shared>>
        %dma_wait3A_54 = arith.constant 0 : i32
        %dma_wait3A_55 = tpu.memref_slice %arg5[%mul3A_45, %dma_wait3A_54] : memref<10000x128xf32, #tpu.memory_space<hbm>> -> memref<1000x128xf32, #tpu.memory_space<hbm>>
        tpu.wait_dma2 semaphore(%run_scoped3A : memref<!tpu.dma_semaphore, #tpu.memory_space<semaphore_mem>>) src(%dma_wait3A_55 : memref<1000x128xf32, #tpu.memory_space<hbm>>) dst(%dma_wait3A_53 : memref<1000x128xf32, #tpu.memory_space<vmem_shared>>)
        tpu.yield
      }) : () -> ()
    } else {
    }
    %mul3A = arith.constant 16 : i32
    %mul3A_2 = arith.muli %arg0, %mul3A : i32
    %add3A = arith.addi %mul3A_2, %arg1 : i32
    %mul3A_3 = arith.constant 10240 : i32
    %mul3A_4 = arith.muli %add3A, %mul3A_3 : i32
    %barrier3A = arith.constant 0 : index
    tpu.barrier barrier_id(%barrier3A)
    %add3A_5 = arith.constant 0 : i32
    %add3A_6 = arith.addi %mul3A_4, %add3A_5 : i32
    %dma_start3A = tpu.memref_slice %arg3[%add3A_6] : memref<327680xi32, #tpu.memory_space<hbm>> -> memref<128xi32, #tpu.memory_space<hbm>>
    %dma_start3A_7 = tpu.memref_slice %arg3[%add3A_6] : memref<327680xi32, #tpu.memory_space<hbm>> -> memref<128xi32, #tpu.memory_space<hbm>>
    tpu.enqueue_dma source(%dma_start3A_7 : memref<128xi32, #tpu.memory_space<hbm>>) target(%arg7 : memref<128xi32, #tpu.memory_space<vmem>>) target_semaphore(%arg16 : memref<!tpu.dma_semaphore, #tpu.memory_space<semaphore_mem>>)
    %add3A_8 = arith.constant 0 : i32
    %add3A_9 = arith.addi %mul3A_4, %add3A_8 : i32
    %dma_start3A_10 = tpu.memref_slice %arg4[%add3A_9] : memref<327680xi32, #tpu.memory_space<hbm>> -> memref<128xi32, #tpu.memory_space<hbm>>
    %dma_start3A_11 = tpu.memref_slice %arg4[%add3A_9] : memref<327680xi32, #tpu.memory_space<hbm>> -> memref<128xi32, #tpu.memory_space<hbm>>
    tpu.enqueue_dma source(%dma_start3A_11 : memref<128xi32, #tpu.memory_space<hbm>>) target(%arg9 : memref<128xi32, #tpu.memory_space<vmem>>) target_semaphore(%arg18 : memref<!tpu.dma_semaphore, #tpu.memory_space<semaphore_mem>>)
    %add3A_12 = arith.constant 128 : i32
    %add3A_13 = arith.addi %mul3A_4, %add3A_12 : i32
    %dma_start3A_14 = tpu.memref_slice %arg3[%add3A_13] : memref<327680xi32, #tpu.memory_space<hbm>> -> memref<128xi32, #tpu.memory_space<hbm>>
    %dma_start3A_15 = tpu.memref_slice %arg3[%add3A_13] : memref<327680xi32, #tpu.memory_space<hbm>> -> memref<128xi32, #tpu.memory_space<hbm>>
    tpu.enqueue_dma source(%dma_start3A_15 : memref<128xi32, #tpu.memory_space<hbm>>) target(%arg8 : memref<128xi32, #tpu.memory_space<vmem>>) target_semaphore(%arg17 : memref<!tpu.dma_semaphore, #tpu.memory_space<semaphore_mem>>)
    %add3A_16 = arith.constant 128 : i32
    %add3A_17 = arith.addi %mul3A_4, %add3A_16 : i32
    %dma_start3A_18 = tpu.memref_slice %arg4[%add3A_17] : memref<327680xi32, #tpu.memory_space<hbm>> -> memref<128xi32, #tpu.memory_space<hbm>>
    %dma_start3A_19 = tpu.memref_slice %arg4[%add3A_17] : memref<327680xi32, #tpu.memory_space<hbm>> -> memref<128xi32, #tpu.memory_space<hbm>>
    tpu.enqueue_dma source(%dma_start3A_19 : memref<128xi32, #tpu.memory_space<hbm>>) target(%arg10 : memref<128xi32, #tpu.memory_space<vmem>>) target_semaphore(%arg19 : memref<!tpu.dma_semaphore, #tpu.memory_space<semaphore_mem>>)
    %dma_wait3A = arith.constant 0 : i32
    %dma_wait3A_20 = tpu.memref_slice %arg3[%dma_wait3A] : memref<327680xi32, #tpu.memory_space<hbm>> -> memref<128xi32, #tpu.memory_space<hbm>>
    %dma_wait3A_21 = arith.constant 0 : i32
    %dma_wait3A_22 = tpu.memref_slice %arg3[%dma_wait3A_21] : memref<327680xi32, #tpu.memory_space<hbm>> -> memref<128xi32, #tpu.memory_space<hbm>>
    tpu.wait_dma2 semaphore(%arg16 : memref<!tpu.dma_semaphore, #tpu.memory_space<semaphore_mem>>) src(%dma_wait3A_22 : memref<128xi32, #tpu.memory_space<hbm>>) dst(%arg7 : memref<128xi32, #tpu.memory_space<vmem>>)
    %dma_start3A_23 = arith.constant 0 : i32
    %dma_start3A_24 = arith.constant 0 : i32
    %dma_start3A_25 = tpu.memref_slice %arg2[%dma_start3A_23, %dma_start3A_24] : memref<10064x128xf32, #tpu.memory_space<hbm>> -> memref<10064x128xf32, #tpu.memory_space<hbm>>
    tpu.enqueue_indirect_dma source(%dma_start3A_25 : memref<10064x128xf32, #tpu.memory_space<hbm>>) target(%arg11 : memref<128x128xf32, #tpu.memory_space<vmem>>) offsets(%arg7 : memref<128xi32, #tpu.memory_space<vmem>>) semaphore(%arg14 : memref<!tpu.dma_semaphore, #tpu.memory_space<semaphore_mem>>)
    %dma_wait3A_26 = arith.constant 0 : i32
    %dma_wait3A_27 = tpu.memref_slice %arg3[%dma_wait3A_26] : memref<327680xi32, #tpu.memory_space<hbm>> -> memref<128xi32, #tpu.memory_space<hbm>>
    %dma_wait3A_28 = arith.constant 0 : i32
    %dma_wait3A_29 = tpu.memref_slice %arg3[%dma_wait3A_28] : memref<327680xi32, #tpu.memory_space<hbm>> -> memref<128xi32, #tpu.memory_space<hbm>>
    tpu.wait_dma2 semaphore(%arg17 : memref<!tpu.dma_semaphore, #tpu.memory_space<semaphore_mem>>) src(%dma_wait3A_29 : memref<128xi32, #tpu.memory_space<hbm>>) dst(%arg8 : memref<128xi32, #tpu.memory_space<vmem>>)
    %dma_start3A_30 = arith.constant 0 : i32
    %dma_start3A_31 = arith.constant 0 : i32
    %dma_start3A_32 = tpu.memref_slice %arg2[%dma_start3A_30, %dma_start3A_31] : memref<10064x128xf32, #tpu.memory_space<hbm>> -> memref<10064x128xf32, #tpu.memory_space<hbm>>
    tpu.enqueue_indirect_dma source(%dma_start3A_32 : memref<10064x128xf32, #tpu.memory_space<hbm>>) target(%arg12 : memref<128x128xf32, #tpu.memory_space<vmem>>) offsets(%arg8 : memref<128xi32, #tpu.memory_space<vmem>>) semaphore(%arg15 : memref<!tpu.dma_semaphore, #tpu.memory_space<semaphore_mem>>)
    %scan3A = arith.constant 0 : i32
    %scan3A_33 = arith.constant 0 : i32
    %scan3A_34 = arith.constant 40 : i32
    %scan3A_35 = arith.addi %scan3A_33, %scan3A_34 : i32
    %scan3A_36 = arith.constant 1 : i32
    scf.for %scan3A_44 = %scan3A_33 to %scan3A_35 step %scan3A_36  : i32 {
      %mul3A_45 = arith.constant 2 : i32
      %mul3A_46 = arith.muli %mul3A_45, %scan3A_44 : i32
      %add3A_47 = arith.constant 0 : i32
      %add3A_48 = arith.addi %mul3A_46, %add3A_47 : i32
      %dma_wait3A_49 = arith.constant 0 : i32
      %dma_wait3A_50 = arith.constant 0 : i32
      %dma_wait3A_51 = tpu.memref_slice %arg2[%dma_wait3A_49, %dma_wait3A_50] : memref<10064x128xf32, #tpu.memory_space<hbm>> -> memref<10064x128xf32, #tpu.memory_space<hbm>>
      tpu.wait_indirect_dma semaphore(%arg14 : memref<!tpu.dma_semaphore, #tpu.memory_space<semaphore_mem>>) src(%dma_wait3A_51 : memref<10064x128xf32, #tpu.memory_space<hbm>>) dst(%arg11 : memref<128x128xf32, #tpu.memory_space<vmem>>)
      %add3A_52 = arith.constant 2 : i32
      %add3A_53 = arith.addi %add3A_48, %add3A_52 : i32
      %lt3A_54 = arith.constant 80 : i32
      %lt3A_55 = arith.cmpi slt, %add3A_53, %lt3A_54 : i32
      %convert_element_type3A_56 = arith.extui %lt3A_55 : i1 to i32
      %cond3A_57 = arith.constant 0 : i32
      %cond3A_58 = arith.cmpi ne, %convert_element_type3A_56, %cond3A_57 : i32
      scf.if %cond3A_58 {
        %add3A_93 = arith.constant 2 : i32
        %add3A_94 = arith.addi %add3A_48, %add3A_93 : i32
        %mul3A_95 = arith.constant 128 : i32
        %mul3A_96 = arith.muli %add3A_94, %mul3A_95 : i32
        %add3A_97 = arith.addi %mul3A_4, %mul3A_96 : i32
        %dma_start3A_98 = tpu.memref_slice %arg3[%add3A_97] : memref<327680xi32, #tpu.memory_space<hbm>> -> memref<128xi32, #tpu.memory_space<hbm>>
        %dma_start3A_99 = tpu.memref_slice %arg3[%add3A_97] : memref<327680xi32, #tpu.memory_space<hbm>> -> memref<128xi32, #tpu.memory_space<hbm>>
        tpu.enqueue_dma source(%dma_start3A_99 : memref<128xi32, #tpu.memory_space<hbm>>) target(%arg7 : memref<128xi32, #tpu.memory_space<vmem>>) target_semaphore(%arg16 : memref<!tpu.dma_semaphore, #tpu.memory_space<semaphore_mem>>)
      } else {
      }
      %dma_wait3A_59 = arith.constant 0 : i32
      %dma_wait3A_60 = tpu.memref_slice %arg4[%dma_wait3A_59] : memref<327680xi32, #tpu.memory_space<hbm>> -> memref<128xi32, #tpu.memory_space<hbm>>
      %dma_wait3A_61 = arith.constant 0 : i32
      %dma_wait3A_62 = tpu.memref_slice %arg4[%dma_wait3A_61] : memref<327680xi32, #tpu.memory_space<hbm>> -> memref<128xi32, #tpu.memory_space<hbm>>
      tpu.wait_dma2 semaphore(%arg18 : memref<!tpu.dma_semaphore, #tpu.memory_space<semaphore_mem>>) src(%dma_wait3A_62 : memref<128xi32, #tpu.memory_space<hbm>>) dst(%arg9 : memref<128xi32, #tpu.memory_space<vmem>>)
      "tpu.region"() ({
        %run_scoped3A = tpu.sem_alloc : memref<!tpu.dma_semaphore, #tpu.memory_space<semaphore_mem>>
        %dma_start3A_93 = arith.constant 0 : i32
        %dma_start3A_94 = arith.constant 0 : i32
        %dma_start3A_95 = tpu.memref_slice %arg13[%dma_start3A_93, %dma_start3A_94] : memref<10000x128xf32, #tpu.memory_space<vmem_shared>> -> memref<10000x128xf32, #tpu.memory_space<vmem_shared>>
        tpu.enqueue_indirect_dma source(%arg11 : memref<128x128xf32, #tpu.memory_space<vmem>>) target(%dma_start3A_95 : memref<10000x128xf32, #tpu.memory_space<vmem_shared>>) offsets(%arg9 : memref<128xi32, #tpu.memory_space<vmem>>) semaphore(%run_scoped3A : memref<!tpu.dma_semaphore, #tpu.memory_space<semaphore_mem>>) {add = true}
        %dma_wait3A_96 = arith.constant 0 : i32
        %dma_wait3A_97 = arith.constant 0 : i32
        %dma_wait3A_98 = tpu.memref_slice %arg13[%dma_wait3A_96, %dma_wait3A_97] : memref<10000x128xf32, #tpu.memory_space<vmem_shared>> -> memref<10000x128xf32, #tpu.memory_space<vmem_shared>>
        tpu.wait_indirect_dma semaphore(%run_scoped3A : memref<!tpu.dma_semaphore, #tpu.memory_space<semaphore_mem>>) src(%arg11 : memref<128x128xf32, #tpu.memory_space<vmem>>) dst(%dma_wait3A_98 : memref<10000x128xf32, #tpu.memory_space<vmem_shared>>)
        tpu.yield
      }) : () -> ()
      %add3A_63 = arith.constant 2 : i32
      %add3A_64 = arith.addi %add3A_48, %add3A_63 : i32
      %lt3A_65 = arith.constant 80 : i32
      %lt3A_66 = arith.cmpi slt, %add3A_64, %lt3A_65 : i32
      %convert_element_type3A_67 = arith.extui %lt3A_66 : i1 to i32
      %cond3A_68 = arith.constant 0 : i32
      %cond3A_69 = arith.cmpi ne, %convert_element_type3A_67, %cond3A_68 : i32
      scf.if %cond3A_69 {
        %add3A_93 = arith.constant 2 : i32
        %add3A_94 = arith.addi %add3A_48, %add3A_93 : i32
        %mul3A_95 = arith.constant 128 : i32
        %mul3A_96 = arith.muli %add3A_94, %mul3A_95 : i32
        %add3A_97 = arith.addi %mul3A_4, %mul3A_96 : i32
        %dma_start3A_98 = tpu.memref_slice %arg4[%add3A_97] : memref<327680xi32, #tpu.memory_space<hbm>> -> memref<128xi32, #tpu.memory_space<hbm>>
        %dma_start3A_99 = tpu.memref_slice %arg4[%add3A_97] : memref<327680xi32, #tpu.memory_space<hbm>> -> memref<128xi32, #tpu.memory_space<hbm>>
        tpu.enqueue_dma source(%dma_start3A_99 : memref<128xi32, #tpu.memory_space<hbm>>) target(%arg9 : memref<128xi32, #tpu.memory_space<vmem>>) target_semaphore(%arg18 : memref<!tpu.dma_semaphore, #tpu.memory_space<semaphore_mem>>)
        %dma_wait3A_100 = arith.constant 0 : i32
        %dma_wait3A_101 = tpu.memref_slice %arg3[%dma_wait3A_100] : memref<327680xi32, #tpu.memory_space<hbm>> -> memref<128xi32, #tpu.memory_space<hbm>>
        %dma_wait3A_102 = arith.constant 0 : i32
        %dma_wait3A_103 = tpu.memref_slice %arg3[%dma_wait3A_102] : memref<327680xi32, #tpu.memory_space<hbm>> -> memref<128xi32, #tpu.memory_space<hbm>>
        tpu.wait_dma2 semaphore(%arg16 : memref<!tpu.dma_semaphore, #tpu.memory_space<semaphore_mem>>) src(%dma_wait3A_103 : memref<128xi32, #tpu.memory_space<hbm>>) dst(%arg7 : memref<128xi32, #tpu.memory_space<vmem>>)
        %dma_start3A_104 = arith.constant 0 : i32
        %dma_start3A_105 = arith.constant 0 : i32
        %dma_start3A_106 = tpu.memref_slice %arg2[%dma_start3A_104, %dma_start3A_105] : memref<10064x128xf32, #tpu.memory_space<hbm>> -> memref<10064x128xf32, #tpu.memory_space<hbm>>
        tpu.enqueue_indirect_dma source(%dma_start3A_106 : memref<10064x128xf32, #tpu.memory_space<hbm>>) target(%arg11 : memref<128x128xf32, #tpu.memory_space<vmem>>) offsets(%arg7 : memref<128xi32, #tpu.memory_space<vmem>>) semaphore(%arg14 : memref<!tpu.dma_semaphore, #tpu.memory_space<semaphore_mem>>)
      } else {
      }
      %add3A_70 = arith.constant 1 : i32
      %add3A_71 = arith.addi %mul3A_46, %add3A_70 : i32
      %dma_wait3A_72 = arith.constant 0 : i32
      %dma_wait3A_73 = arith.constant 0 : i32
      %dma_wait3A_74 = tpu.memref_slice %arg2[%dma_wait3A_72, %dma_wait3A_73] : memref<10064x128xf32, #tpu.memory_space<hbm>> -> memref<10064x128xf32, #tpu.memory_space<hbm>>
      tpu.wait_indirect_dma semaphore(%arg15 : memref<!tpu.dma_semaphore, #tpu.memory_space<semaphore_mem>>) src(%dma_wait3A_74 : memref<10064x128xf32, #tpu.memory_space<hbm>>) dst(%arg12 : memref<128x128xf32, #tpu.memory_space<vmem>>)
      %add3A_75 = arith.constant 2 : i32
      %add3A_76 = arith.addi %add3A_71, %add3A_75 : i32
      %lt3A_77 = arith.constant 80 : i32
      %lt3A_78 = arith.cmpi slt, %add3A_76, %lt3A_77 : i32
      %convert_element_type3A_79 = arith.extui %lt3A_78 : i1 to i32
      %cond3A_80 = arith.constant 0 : i32
      %cond3A_81 = arith.cmpi ne, %convert_element_type3A_79, %cond3A_80 : i32
      scf.if %cond3A_81 {
        %add3A_93 = arith.constant 2 : i32
        %add3A_94 = arith.addi %add3A_71, %add3A_93 : i32
        %mul3A_95 = arith.constant 128 : i32
        %mul3A_96 = arith.muli %add3A_94, %mul3A_95 : i32
        %add3A_97 = arith.addi %mul3A_4, %mul3A_96 : i32
        %dma_start3A_98 = tpu.memref_slice %arg3[%add3A_97] : memref<327680xi32, #tpu.memory_space<hbm>> -> memref<128xi32, #tpu.memory_space<hbm>>
        %dma_start3A_99 = tpu.memref_slice %arg3[%add3A_97] : memref<327680xi32, #tpu.memory_space<hbm>> -> memref<128xi32, #tpu.memory_space<hbm>>
        tpu.enqueue_dma source(%dma_start3A_99 : memref<128xi32, #tpu.memory_space<hbm>>) target(%arg8 : memref<128xi32, #tpu.memory_space<vmem>>) target_semaphore(%arg17 : memref<!tpu.dma_semaphore, #tpu.memory_space<semaphore_mem>>)
      } else {
      }
      %dma_wait3A_82 = arith.constant 0 : i32
      %dma_wait3A_83 = tpu.memref_slice %arg4[%dma_wait3A_82] : memref<327680xi32, #tpu.memory_space<hbm>> -> memref<128xi32, #tpu.memory_space<hbm>>
      %dma_wait3A_84 = arith.constant 0 : i32
      %dma_wait3A_85 = tpu.memref_slice %arg4[%dma_wait3A_84] : memref<327680xi32, #tpu.memory_space<hbm>> -> memref<128xi32, #tpu.memory_space<hbm>>
      tpu.wait_dma2 semaphore(%arg19 : memref<!tpu.dma_semaphore, #tpu.memory_space<semaphore_mem>>) src(%dma_wait3A_85 : memref<128xi32, #tpu.memory_space<hbm>>) dst(%arg10 : memref<128xi32, #tpu.memory_space<vmem>>)
      "tpu.region"() ({
        %run_scoped3A = tpu.sem_alloc : memref<!tpu.dma_semaphore, #tpu.memory_space<semaphore_mem>>
        %dma_start3A_93 = arith.constant 0 : i32
        %dma_start3A_94 = arith.constant 0 : i32
        %dma_start3A_95 = tpu.memref_slice %arg13[%dma_start3A_93, %dma_start3A_94] : memref<10000x128xf32, #tpu.memory_space<vmem_shared>> -> memref<10000x128xf32, #tpu.memory_space<vmem_shared>>
        tpu.enqueue_indirect_dma source(%arg12 : memref<128x128xf32, #tpu.memory_space<vmem>>) target(%dma_start3A_95 : memref<10000x128xf32, #tpu.memory_space<vmem_shared>>) offsets(%arg10 : memref<128xi32, #tpu.memory_space<vmem>>) semaphore(%run_scoped3A : memref<!tpu.dma_semaphore, #tpu.memory_space<semaphore_mem>>) {add = true}
        %dma_wait3A_96 = arith.constant 0 : i32
        %dma_wait3A_97 = arith.constant 0 : i32
        %dma_wait3A_98 = tpu.memref_slice %arg13[%dma_wait3A_96, %dma_wait3A_97] : memref<10000x128xf32, #tpu.memory_space<vmem_shared>> -> memref<10000x128xf32, #tpu.memory_space<vmem_shared>>
        tpu.wait_indirect_dma semaphore(%run_scoped3A : memref<!tpu.dma_semaphore, #tpu.memory_space<semaphore_mem>>) src(%arg12 : memref<128x128xf32, #tpu.memory_space<vmem>>) dst(%dma_wait3A_98 : memref<10000x128xf32, #tpu.memory_space<vmem_shared>>)
        tpu.yield
      }) : () -> ()
      %add3A_86 = arith.constant 2 : i32
      %add3A_87 = arith.addi %add3A_71, %add3A_86 : i32
      %lt3A_88 = arith.constant 80 : i32
      %lt3A_89 = arith.cmpi slt, %add3A_87, %lt3A_88 : i32
      %convert_element_type3A_90 = arith.extui %lt3A_89 : i1 to i32
      %cond3A_91 = arith.constant 0 : i32
      %cond3A_92 = arith.cmpi ne, %convert_element_type3A_90, %cond3A_91 : i32
      scf.if %cond3A_92 {
        %add3A_93 = arith.constant 2 : i32
        %add3A_94 = arith.addi %add3A_71, %add3A_93 : i32
        %mul3A_95 = arith.constant 128 : i32
        %mul3A_96 = arith.muli %add3A_94, %mul3A_95 : i32
        %add3A_97 = arith.addi %mul3A_4, %mul3A_96 : i32
        %dma_start3A_98 = tpu.memref_slice %arg4[%add3A_97] : memref<327680xi32, #tpu.memory_space<hbm>> -> memref<128xi32, #tpu.memory_space<hbm>>
        %dma_start3A_99 = tpu.memref_slice %arg4[%add3A_97] : memref<327680xi32, #tpu.memory_space<hbm>> -> memref<128xi32, #tpu.memory_space<hbm>>
        tpu.enqueue_dma source(%dma_start3A_99 : memref<128xi32, #tpu.memory_space<hbm>>) target(%arg10 : memref<128xi32, #tpu.memory_space<vmem>>) target_semaphore(%arg19 : memref<!tpu.dma_semaphore, #tpu.memory_space<semaphore_mem>>)
        %dma_wait3A_100 = arith.constant 0 : i32
        %dma_wait3A_101 = tpu.memref_slice %arg3[%dma_wait3A_100] : memref<327680xi32, #tpu.memory_space<hbm>> -> memref<128xi32, #tpu.memory_space<hbm>>
        %dma_wait3A_102 = arith.constant 0 : i32
        %dma_wait3A_103 = tpu.memref_slice %arg3[%dma_wait3A_102] : memref<327680xi32, #tpu.memory_space<hbm>> -> memref<128xi32, #tpu.memory_space<hbm>>
        tpu.wait_dma2 semaphore(%arg17 : memref<!tpu.dma_semaphore, #tpu.memory_space<semaphore_mem>>) src(%dma_wait3A_103 : memref<128xi32, #tpu.memory_space<hbm>>) dst(%arg8 : memref<128xi32, #tpu.memory_space<vmem>>)
        %dma_start3A_104 = arith.constant 0 : i32
        %dma_start3A_105 = arith.constant 0 : i32
        %dma_start3A_106 = tpu.memref_slice %arg2[%dma_start3A_104, %dma_start3A_105] : memref<10064x128xf32, #tpu.memory_space<hbm>> -> memref<10064x128xf32, #tpu.memory_space<hbm>>
        tpu.enqueue_indirect_dma source(%dma_start3A_106 : memref<10064x128xf32, #tpu.memory_space<hbm>>) target(%arg12 : memref<128x128xf32, #tpu.memory_space<vmem>>) offsets(%arg8 : memref<128xi32, #tpu.memory_space<vmem>>) semaphore(%arg15 : memref<!tpu.dma_semaphore, #tpu.memory_space<semaphore_mem>>)
      } else {
      }
    }
    %scan3A_37 = arith.constant 40 : i32
    %barrier3A_38 = arith.constant 0 : index
    tpu.barrier barrier_id(%barrier3A_38)
    %lt3A_39 = arith.constant 10 : i32
    %lt3A_40 = arith.cmpi slt, %arg1, %lt3A_39 : i32
    %convert_element_type3A_41 = arith.extui %lt3A_40 : i1 to i32
    %cond3A_42 = arith.constant 0 : i32
    %cond3A_43 = arith.cmpi ne, %convert_element_type3A_41, %cond3A_42 : i32
    scf.if %cond3A_43 {
      %mul3A_44 = arith.constant 1000 : i32
      %mul3A_45 = arith.muli %arg1, %mul3A_44 : i32
      %mul3A_46 = arith.constant 10000 : i32
      %mul3A_47 = arith.muli %arg0, %mul3A_46 : i32
      %mul3A_48 = arith.constant 1000 : i32
      %mul3A_49 = arith.muli %arg1, %mul3A_48 : i32
      %add3A_50 = arith.addi %mul3A_47, %mul3A_49 : i32
      "tpu.region"() ({
        %run_scoped3A = tpu.sem_alloc : memref<!tpu.dma_semaphore, #tpu.memory_space<semaphore_mem>>
        %dma_start3A_51 = arith.constant 0 : i32
        %dma_start3A_52 = tpu.memref_slice %arg6[%add3A_50, %dma_start3A_51] : memref<20000x128xf32, #tpu.memory_space<hbm>> -> memref<1000x128xf32, #tpu.memory_space<hbm>>
        %dma_start3A_53 = arith.constant 0 : i32
        %dma_start3A_54 = tpu.memref_slice %arg13[%mul3A_45, %dma_start3A_53] : memref<10000x128xf32, #tpu.memory_space<vmem_shared>> -> memref<1000x128xf32, #tpu.memory_space<vmem_shared>>
        tpu.enqueue_dma source(%dma_start3A_54 : memref<1000x128xf32, #tpu.memory_space<vmem_shared>>) target(%dma_start3A_52 : memref<1000x128xf32, #tpu.memory_space<hbm>>) target_semaphore(%run_scoped3A : memref<!tpu.dma_semaphore, #tpu.memory_space<semaphore_mem>>)
        %dma_wait3A_55 = arith.constant 0 : i32
        %dma_wait3A_56 = tpu.memref_slice %arg6[%add3A_50, %dma_wait3A_55] : memref<20000x128xf32, #tpu.memory_space<hbm>> -> memref<1000x128xf32, #tpu.memory_space<hbm>>
        %dma_wait3A_57 = arith.constant 0 : i32
        %dma_wait3A_58 = tpu.memref_slice %arg13[%mul3A_45, %dma_wait3A_57] : memref<10000x128xf32, #tpu.memory_space<vmem_shared>> -> memref<1000x128xf32, #tpu.memory_space<vmem_shared>>
        tpu.wait_dma2 semaphore(%run_scoped3A : memref<!tpu.dma_semaphore, #tpu.memory_space<semaphore_mem>>) src(%dma_wait3A_58 : memref<1000x128xf32, #tpu.memory_space<vmem_shared>>) dst(%dma_wait3A_56 : memref<1000x128xf32, #tpu.memory_space<hbm>>)
        tpu.yield
      }) : () -> ()
    } else {
    }
    return
  }
}

#map = affine_map<(d0, d1) -> (0, 0)>
#map1 = affine_map<(d0, d1) -> (0)>
module attributes {stable_mosaic.version = 14 : i64} {
  func.func @kern(%arg0: i32, %arg1: i32, %arg2: memref<20064x128xf32, #tpu.memory_space<hbm>>, %arg3: memref<655360xi32, #tpu.memory_space<hbm>>, %arg4: memref<327680xi32, #tpu.memory_space<hbm>>, %arg5: memref<10000x128xf32, #tpu.memory_space<hbm>>, %arg6: memref<20000x128xf32, #tpu.memory_space<hbm>>, %arg7: memref<128xi32, #tpu.memory_space<vmem>>, %arg8: memref<128xi32, #tpu.memory_space<vmem>>, %arg9: memref<128xi32, #tpu.memory_space<vmem>>, %arg10: memref<128xi32, #tpu.memory_space<vmem>>, %arg11: memref<128x128xf32, #tpu.memory_space<vmem>>, %arg12: memref<128x128xf32, #tpu.memory_space<vmem>>, %arg13: memref<10000x128xf32, #tpu.memory_space<vmem_shared>>, %arg14: memref<!tpu.dma_semaphore, #tpu.memory_space<semaphore_mem>>, %arg15: memref<!tpu.dma_semaphore, #tpu.memory_space<semaphore_mem>>, %arg16: memref<!tpu.dma_semaphore, #tpu.memory_space<semaphore_mem>>, %arg17: memref<!tpu.dma_semaphore, #tpu.memory_space<semaphore_mem>>, %arg18: memref<!tpu.dma_semaphore, #tpu.memory_space<semaphore_mem>>, %arg19: memref<!tpu.dma_semaphore, #tpu.memory_space<semaphore_mem>>) attributes {dimension_semantics = [#tpu.dimension_semantics<core_parallel>, #tpu.dimension_semantics<subcore_parallel>], iteration_bounds = array<i64: 2, 16>, scalar_prefetch = 0 : i64, scratch_operands = 13 : i64, tpu.core_type = #tpu.core_type<sc_vector_subcore>, window_params = [{transform_indices = #map}, {transform_indices = #map1}, {transform_indices = #map1}, {transform_indices = #map}, {transform_indices = #map}]} {
    %lt3A = arith.constant 10 : i32
    %lt3A_0 = arith.cmpi slt, %arg1, %lt3A : i32
    %convert_element_type3A = arith.extui %lt3A_0 : i1 to i32
    %cond3A = arith.constant 0 : i32
    %cond3A_1 = arith.cmpi ne, %convert_element_type3A, %cond3A : i32
    scf.if %cond3A_1 {
      %mul3A_46 = arith.constant 1000 : i32
      %mul3A_47 = arith.muli %arg1, %mul3A_46 : i32
      %mul3A_48 = arith.constant 1000 : i32
      %mul3A_49 = arith.muli %arg1, %mul3A_48 : i32
      "tpu.region"() ({
        %run_scoped3A = tpu.sem_alloc : memref<!tpu.dma_semaphore, #tpu.memory_space<semaphore_mem>>
        %dma_start3A_50 = arith.constant 0 : i32
        %dma_start3A_51 = tpu.memref_slice %arg13[%mul3A_49, %dma_start3A_50] : memref<10000x128xf32, #tpu.memory_space<vmem_shared>> -> memref<1000x128xf32, #tpu.memory_space<vmem_shared>>
        %dma_start3A_52 = arith.constant 0 : i32
        %dma_start3A_53 = tpu.memref_slice %arg5[%mul3A_47, %dma_start3A_52] : memref<10000x128xf32, #tpu.memory_space<hbm>> -> memref<1000x128xf32, #tpu.memory_space<hbm>>
        tpu.enqueue_dma source(%dma_start3A_53 : memref<1000x128xf32, #tpu.memory_space<hbm>>) target(%dma_start3A_51 : memref<1000x128xf32, #tpu.memory_space<vmem_shared>>) target_semaphore(%run_scoped3A : memref<!tpu.dma_semaphore, #tpu.memory_space<semaphore_mem>>)
        %dma_wait3A_54 = arith.constant 0 : i32
        %dma_wait3A_55 = tpu.memref_slice %arg13[%mul3A_49, %dma_wait3A_54] : memref<10000x128xf32, #tpu.memory_space<vmem_shared>> -> memref<1000x128xf32, #tpu.memory_space<vmem_shared>>
        %dma_wait3A_56 = arith.constant 0 : i32
        %dma_wait3A_57 = tpu.memref_slice %arg5[%mul3A_47, %dma_wait3A_56] : memref<10000x128xf32, #tpu.memory_space<hbm>> -> memref<1000x128xf32, #tpu.memory_space<hbm>>
        tpu.wait_dma2 semaphore(%run_scoped3A : memref<!tpu.dma_semaphore, #tpu.memory_space<semaphore_mem>>) src(%dma_wait3A_57 : memref<1000x128xf32, #tpu.memory_space<hbm>>) dst(%dma_wait3A_55 : memref<1000x128xf32, #tpu.memory_space<vmem_shared>>)
        tpu.yield
      }) : () -> ()
    } else {
    }
    %mul3A = arith.constant 327680 : i32
    %mul3A_2 = arith.muli %arg0, %mul3A : i32
    %mul3A_3 = arith.constant 20480 : i32
    %mul3A_4 = arith.muli %arg1, %mul3A_3 : i32
    %add3A = arith.addi %mul3A_2, %mul3A_4 : i32
    %mul3A_5 = arith.constant 20480 : i32
    %mul3A_6 = arith.muli %arg1, %mul3A_5 : i32
    %barrier3A = arith.constant 0 : index
    tpu.barrier barrier_id(%barrier3A)
    %add3A_7 = arith.constant 0 : i32
    %add3A_8 = arith.addi %add3A, %add3A_7 : i32
    %dma_start3A = tpu.memref_slice %arg3[%add3A_8] : memref<655360xi32, #tpu.memory_space<hbm>> -> memref<128xi32, #tpu.memory_space<hbm>>
    %dma_start3A_9 = tpu.memref_slice %arg3[%add3A_8] : memref<655360xi32, #tpu.memory_space<hbm>> -> memref<128xi32, #tpu.memory_space<hbm>>
    tpu.enqueue_dma source(%dma_start3A_9 : memref<128xi32, #tpu.memory_space<hbm>>) target(%arg7 : memref<128xi32, #tpu.memory_space<vmem>>) target_semaphore(%arg16 : memref<!tpu.dma_semaphore, #tpu.memory_space<semaphore_mem>>)
    %add3A_10 = arith.constant 0 : i32
    %add3A_11 = arith.addi %mul3A_6, %add3A_10 : i32
    %dma_start3A_12 = tpu.memref_slice %arg4[%add3A_11] : memref<327680xi32, #tpu.memory_space<hbm>> -> memref<128xi32, #tpu.memory_space<hbm>>
    %dma_start3A_13 = tpu.memref_slice %arg4[%add3A_11] : memref<327680xi32, #tpu.memory_space<hbm>> -> memref<128xi32, #tpu.memory_space<hbm>>
    tpu.enqueue_dma source(%dma_start3A_13 : memref<128xi32, #tpu.memory_space<hbm>>) target(%arg9 : memref<128xi32, #tpu.memory_space<vmem>>) target_semaphore(%arg18 : memref<!tpu.dma_semaphore, #tpu.memory_space<semaphore_mem>>)
    %add3A_14 = arith.constant 128 : i32
    %add3A_15 = arith.addi %add3A, %add3A_14 : i32
    %dma_start3A_16 = tpu.memref_slice %arg3[%add3A_15] : memref<655360xi32, #tpu.memory_space<hbm>> -> memref<128xi32, #tpu.memory_space<hbm>>
    %dma_start3A_17 = tpu.memref_slice %arg3[%add3A_15] : memref<655360xi32, #tpu.memory_space<hbm>> -> memref<128xi32, #tpu.memory_space<hbm>>
    tpu.enqueue_dma source(%dma_start3A_17 : memref<128xi32, #tpu.memory_space<hbm>>) target(%arg8 : memref<128xi32, #tpu.memory_space<vmem>>) target_semaphore(%arg17 : memref<!tpu.dma_semaphore, #tpu.memory_space<semaphore_mem>>)
    %add3A_18 = arith.constant 128 : i32
    %add3A_19 = arith.addi %mul3A_6, %add3A_18 : i32
    %dma_start3A_20 = tpu.memref_slice %arg4[%add3A_19] : memref<327680xi32, #tpu.memory_space<hbm>> -> memref<128xi32, #tpu.memory_space<hbm>>
    %dma_start3A_21 = tpu.memref_slice %arg4[%add3A_19] : memref<327680xi32, #tpu.memory_space<hbm>> -> memref<128xi32, #tpu.memory_space<hbm>>
    tpu.enqueue_dma source(%dma_start3A_21 : memref<128xi32, #tpu.memory_space<hbm>>) target(%arg10 : memref<128xi32, #tpu.memory_space<vmem>>) target_semaphore(%arg19 : memref<!tpu.dma_semaphore, #tpu.memory_space<semaphore_mem>>)
    %dma_wait3A = arith.constant 0 : i32
    %dma_wait3A_22 = tpu.memref_slice %arg3[%dma_wait3A] : memref<655360xi32, #tpu.memory_space<hbm>> -> memref<128xi32, #tpu.memory_space<hbm>>
    %dma_wait3A_23 = arith.constant 0 : i32
    %dma_wait3A_24 = tpu.memref_slice %arg3[%dma_wait3A_23] : memref<655360xi32, #tpu.memory_space<hbm>> -> memref<128xi32, #tpu.memory_space<hbm>>
    tpu.wait_dma2 semaphore(%arg16 : memref<!tpu.dma_semaphore, #tpu.memory_space<semaphore_mem>>) src(%dma_wait3A_24 : memref<128xi32, #tpu.memory_space<hbm>>) dst(%arg7 : memref<128xi32, #tpu.memory_space<vmem>>)
    %dma_start3A_25 = arith.constant 0 : i32
    %dma_start3A_26 = arith.constant 0 : i32
    %dma_start3A_27 = tpu.memref_slice %arg2[%dma_start3A_25, %dma_start3A_26] : memref<20064x128xf32, #tpu.memory_space<hbm>> -> memref<20064x128xf32, #tpu.memory_space<hbm>>
    tpu.enqueue_indirect_dma source(%dma_start3A_27 : memref<20064x128xf32, #tpu.memory_space<hbm>>) target(%arg11 : memref<128x128xf32, #tpu.memory_space<vmem>>) offsets(%arg7 : memref<128xi32, #tpu.memory_space<vmem>>) semaphore(%arg14 : memref<!tpu.dma_semaphore, #tpu.memory_space<semaphore_mem>>)
    %dma_wait3A_28 = arith.constant 0 : i32
    %dma_wait3A_29 = tpu.memref_slice %arg3[%dma_wait3A_28] : memref<655360xi32, #tpu.memory_space<hbm>> -> memref<128xi32, #tpu.memory_space<hbm>>
    %dma_wait3A_30 = arith.constant 0 : i32
    %dma_wait3A_31 = tpu.memref_slice %arg3[%dma_wait3A_30] : memref<655360xi32, #tpu.memory_space<hbm>> -> memref<128xi32, #tpu.memory_space<hbm>>
    tpu.wait_dma2 semaphore(%arg17 : memref<!tpu.dma_semaphore, #tpu.memory_space<semaphore_mem>>) src(%dma_wait3A_31 : memref<128xi32, #tpu.memory_space<hbm>>) dst(%arg8 : memref<128xi32, #tpu.memory_space<vmem>>)
    %dma_start3A_32 = arith.constant 0 : i32
    %dma_start3A_33 = arith.constant 0 : i32
    %dma_start3A_34 = tpu.memref_slice %arg2[%dma_start3A_32, %dma_start3A_33] : memref<20064x128xf32, #tpu.memory_space<hbm>> -> memref<20064x128xf32, #tpu.memory_space<hbm>>
    tpu.enqueue_indirect_dma source(%dma_start3A_34 : memref<20064x128xf32, #tpu.memory_space<hbm>>) target(%arg12 : memref<128x128xf32, #tpu.memory_space<vmem>>) offsets(%arg8 : memref<128xi32, #tpu.memory_space<vmem>>) semaphore(%arg15 : memref<!tpu.dma_semaphore, #tpu.memory_space<semaphore_mem>>)
    %scan3A = arith.constant 0 : i32
    %scan3A_35 = arith.constant 0 : i32
    %scan3A_36 = arith.constant 80 : i32
    %scan3A_37 = arith.addi %scan3A_35, %scan3A_36 : i32
    %scan3A_38 = arith.constant 1 : i32
    scf.for %scan3A_46 = %scan3A_35 to %scan3A_37 step %scan3A_38  : i32 {
      %mul3A_47 = arith.constant 2 : i32
      %mul3A_48 = arith.muli %mul3A_47, %scan3A_46 : i32
      %add3A_49 = arith.constant 0 : i32
      %add3A_50 = arith.addi %mul3A_48, %add3A_49 : i32
      %dma_wait3A_51 = arith.constant 0 : i32
      %dma_wait3A_52 = arith.constant 0 : i32
      %dma_wait3A_53 = tpu.memref_slice %arg2[%dma_wait3A_51, %dma_wait3A_52] : memref<20064x128xf32, #tpu.memory_space<hbm>> -> memref<20064x128xf32, #tpu.memory_space<hbm>>
      tpu.wait_indirect_dma semaphore(%arg14 : memref<!tpu.dma_semaphore, #tpu.memory_space<semaphore_mem>>) src(%dma_wait3A_53 : memref<20064x128xf32, #tpu.memory_space<hbm>>) dst(%arg11 : memref<128x128xf32, #tpu.memory_space<vmem>>)
      %add3A_54 = arith.constant 2 : i32
      %add3A_55 = arith.addi %add3A_50, %add3A_54 : i32
      %lt3A_56 = arith.constant 160 : i32
      %lt3A_57 = arith.cmpi slt, %add3A_55, %lt3A_56 : i32
      %convert_element_type3A_58 = arith.extui %lt3A_57 : i1 to i32
      %cond3A_59 = arith.constant 0 : i32
      %cond3A_60 = arith.cmpi ne, %convert_element_type3A_58, %cond3A_59 : i32
      scf.if %cond3A_60 {
        %add3A_95 = arith.constant 2 : i32
        %add3A_96 = arith.addi %add3A_50, %add3A_95 : i32
        %mul3A_97 = arith.constant 128 : i32
        %mul3A_98 = arith.muli %add3A_96, %mul3A_97 : i32
        %add3A_99 = arith.addi %add3A, %mul3A_98 : i32
        %dma_start3A_100 = tpu.memref_slice %arg3[%add3A_99] : memref<655360xi32, #tpu.memory_space<hbm>> -> memref<128xi32, #tpu.memory_space<hbm>>
        %dma_start3A_101 = tpu.memref_slice %arg3[%add3A_99] : memref<655360xi32, #tpu.memory_space<hbm>> -> memref<128xi32, #tpu.memory_space<hbm>>
        tpu.enqueue_dma source(%dma_start3A_101 : memref<128xi32, #tpu.memory_space<hbm>>) target(%arg7 : memref<128xi32, #tpu.memory_space<vmem>>) target_semaphore(%arg16 : memref<!tpu.dma_semaphore, #tpu.memory_space<semaphore_mem>>)
      } else {
      }
      %dma_wait3A_61 = arith.constant 0 : i32
      %dma_wait3A_62 = tpu.memref_slice %arg4[%dma_wait3A_61] : memref<327680xi32, #tpu.memory_space<hbm>> -> memref<128xi32, #tpu.memory_space<hbm>>
      %dma_wait3A_63 = arith.constant 0 : i32
      %dma_wait3A_64 = tpu.memref_slice %arg4[%dma_wait3A_63] : memref<327680xi32, #tpu.memory_space<hbm>> -> memref<128xi32, #tpu.memory_space<hbm>>
      tpu.wait_dma2 semaphore(%arg18 : memref<!tpu.dma_semaphore, #tpu.memory_space<semaphore_mem>>) src(%dma_wait3A_64 : memref<128xi32, #tpu.memory_space<hbm>>) dst(%arg9 : memref<128xi32, #tpu.memory_space<vmem>>)
      "tpu.region"() ({
        %run_scoped3A = tpu.sem_alloc : memref<!tpu.dma_semaphore, #tpu.memory_space<semaphore_mem>>
        %dma_start3A_95 = arith.constant 0 : i32
        %dma_start3A_96 = arith.constant 0 : i32
        %dma_start3A_97 = tpu.memref_slice %arg13[%dma_start3A_95, %dma_start3A_96] : memref<10000x128xf32, #tpu.memory_space<vmem_shared>> -> memref<10000x128xf32, #tpu.memory_space<vmem_shared>>
        tpu.enqueue_indirect_dma source(%arg11 : memref<128x128xf32, #tpu.memory_space<vmem>>) target(%dma_start3A_97 : memref<10000x128xf32, #tpu.memory_space<vmem_shared>>) offsets(%arg9 : memref<128xi32, #tpu.memory_space<vmem>>) semaphore(%run_scoped3A : memref<!tpu.dma_semaphore, #tpu.memory_space<semaphore_mem>>) {add = true}
        %dma_wait3A_98 = arith.constant 0 : i32
        %dma_wait3A_99 = arith.constant 0 : i32
        %dma_wait3A_100 = tpu.memref_slice %arg13[%dma_wait3A_98, %dma_wait3A_99] : memref<10000x128xf32, #tpu.memory_space<vmem_shared>> -> memref<10000x128xf32, #tpu.memory_space<vmem_shared>>
        tpu.wait_indirect_dma semaphore(%run_scoped3A : memref<!tpu.dma_semaphore, #tpu.memory_space<semaphore_mem>>) src(%arg11 : memref<128x128xf32, #tpu.memory_space<vmem>>) dst(%dma_wait3A_100 : memref<10000x128xf32, #tpu.memory_space<vmem_shared>>)
        tpu.yield
      }) : () -> ()
      %add3A_65 = arith.constant 2 : i32
      %add3A_66 = arith.addi %add3A_50, %add3A_65 : i32
      %lt3A_67 = arith.constant 160 : i32
      %lt3A_68 = arith.cmpi slt, %add3A_66, %lt3A_67 : i32
      %convert_element_type3A_69 = arith.extui %lt3A_68 : i1 to i32
      %cond3A_70 = arith.constant 0 : i32
      %cond3A_71 = arith.cmpi ne, %convert_element_type3A_69, %cond3A_70 : i32
      scf.if %cond3A_71 {
        %add3A_95 = arith.constant 2 : i32
        %add3A_96 = arith.addi %add3A_50, %add3A_95 : i32
        %mul3A_97 = arith.constant 128 : i32
        %mul3A_98 = arith.muli %add3A_96, %mul3A_97 : i32
        %add3A_99 = arith.addi %mul3A_6, %mul3A_98 : i32
        %dma_start3A_100 = tpu.memref_slice %arg4[%add3A_99] : memref<327680xi32, #tpu.memory_space<hbm>> -> memref<128xi32, #tpu.memory_space<hbm>>
        %dma_start3A_101 = tpu.memref_slice %arg4[%add3A_99] : memref<327680xi32, #tpu.memory_space<hbm>> -> memref<128xi32, #tpu.memory_space<hbm>>
        tpu.enqueue_dma source(%dma_start3A_101 : memref<128xi32, #tpu.memory_space<hbm>>) target(%arg9 : memref<128xi32, #tpu.memory_space<vmem>>) target_semaphore(%arg18 : memref<!tpu.dma_semaphore, #tpu.memory_space<semaphore_mem>>)
        %dma_wait3A_102 = arith.constant 0 : i32
        %dma_wait3A_103 = tpu.memref_slice %arg3[%dma_wait3A_102] : memref<655360xi32, #tpu.memory_space<hbm>> -> memref<128xi32, #tpu.memory_space<hbm>>
        %dma_wait3A_104 = arith.constant 0 : i32
        %dma_wait3A_105 = tpu.memref_slice %arg3[%dma_wait3A_104] : memref<655360xi32, #tpu.memory_space<hbm>> -> memref<128xi32, #tpu.memory_space<hbm>>
        tpu.wait_dma2 semaphore(%arg16 : memref<!tpu.dma_semaphore, #tpu.memory_space<semaphore_mem>>) src(%dma_wait3A_105 : memref<128xi32, #tpu.memory_space<hbm>>) dst(%arg7 : memref<128xi32, #tpu.memory_space<vmem>>)
        %dma_start3A_106 = arith.constant 0 : i32
        %dma_start3A_107 = arith.constant 0 : i32
        %dma_start3A_108 = tpu.memref_slice %arg2[%dma_start3A_106, %dma_start3A_107] : memref<20064x128xf32, #tpu.memory_space<hbm>> -> memref<20064x128xf32, #tpu.memory_space<hbm>>
        tpu.enqueue_indirect_dma source(%dma_start3A_108 : memref<20064x128xf32, #tpu.memory_space<hbm>>) target(%arg11 : memref<128x128xf32, #tpu.memory_space<vmem>>) offsets(%arg7 : memref<128xi32, #tpu.memory_space<vmem>>) semaphore(%arg14 : memref<!tpu.dma_semaphore, #tpu.memory_space<semaphore_mem>>)
      } else {
      }
      %add3A_72 = arith.constant 1 : i32
      %add3A_73 = arith.addi %mul3A_48, %add3A_72 : i32
      %dma_wait3A_74 = arith.constant 0 : i32
      %dma_wait3A_75 = arith.constant 0 : i32
      %dma_wait3A_76 = tpu.memref_slice %arg2[%dma_wait3A_74, %dma_wait3A_75] : memref<20064x128xf32, #tpu.memory_space<hbm>> -> memref<20064x128xf32, #tpu.memory_space<hbm>>
      tpu.wait_indirect_dma semaphore(%arg15 : memref<!tpu.dma_semaphore, #tpu.memory_space<semaphore_mem>>) src(%dma_wait3A_76 : memref<20064x128xf32, #tpu.memory_space<hbm>>) dst(%arg12 : memref<128x128xf32, #tpu.memory_space<vmem>>)
      %add3A_77 = arith.constant 2 : i32
      %add3A_78 = arith.addi %add3A_73, %add3A_77 : i32
      %lt3A_79 = arith.constant 160 : i32
      %lt3A_80 = arith.cmpi slt, %add3A_78, %lt3A_79 : i32
      %convert_element_type3A_81 = arith.extui %lt3A_80 : i1 to i32
      %cond3A_82 = arith.constant 0 : i32
      %cond3A_83 = arith.cmpi ne, %convert_element_type3A_81, %cond3A_82 : i32
      scf.if %cond3A_83 {
        %add3A_95 = arith.constant 2 : i32
        %add3A_96 = arith.addi %add3A_73, %add3A_95 : i32
        %mul3A_97 = arith.constant 128 : i32
        %mul3A_98 = arith.muli %add3A_96, %mul3A_97 : i32
        %add3A_99 = arith.addi %add3A, %mul3A_98 : i32
        %dma_start3A_100 = tpu.memref_slice %arg3[%add3A_99] : memref<655360xi32, #tpu.memory_space<hbm>> -> memref<128xi32, #tpu.memory_space<hbm>>
        %dma_start3A_101 = tpu.memref_slice %arg3[%add3A_99] : memref<655360xi32, #tpu.memory_space<hbm>> -> memref<128xi32, #tpu.memory_space<hbm>>
        tpu.enqueue_dma source(%dma_start3A_101 : memref<128xi32, #tpu.memory_space<hbm>>) target(%arg8 : memref<128xi32, #tpu.memory_space<vmem>>) target_semaphore(%arg17 : memref<!tpu.dma_semaphore, #tpu.memory_space<semaphore_mem>>)
      } else {
      }
      %dma_wait3A_84 = arith.constant 0 : i32
      %dma_wait3A_85 = tpu.memref_slice %arg4[%dma_wait3A_84] : memref<327680xi32, #tpu.memory_space<hbm>> -> memref<128xi32, #tpu.memory_space<hbm>>
      %dma_wait3A_86 = arith.constant 0 : i32
      %dma_wait3A_87 = tpu.memref_slice %arg4[%dma_wait3A_86] : memref<327680xi32, #tpu.memory_space<hbm>> -> memref<128xi32, #tpu.memory_space<hbm>>
      tpu.wait_dma2 semaphore(%arg19 : memref<!tpu.dma_semaphore, #tpu.memory_space<semaphore_mem>>) src(%dma_wait3A_87 : memref<128xi32, #tpu.memory_space<hbm>>) dst(%arg10 : memref<128xi32, #tpu.memory_space<vmem>>)
      "tpu.region"() ({
        %run_scoped3A = tpu.sem_alloc : memref<!tpu.dma_semaphore, #tpu.memory_space<semaphore_mem>>
        %dma_start3A_95 = arith.constant 0 : i32
        %dma_start3A_96 = arith.constant 0 : i32
        %dma_start3A_97 = tpu.memref_slice %arg13[%dma_start3A_95, %dma_start3A_96] : memref<10000x128xf32, #tpu.memory_space<vmem_shared>> -> memref<10000x128xf32, #tpu.memory_space<vmem_shared>>
        tpu.enqueue_indirect_dma source(%arg12 : memref<128x128xf32, #tpu.memory_space<vmem>>) target(%dma_start3A_97 : memref<10000x128xf32, #tpu.memory_space<vmem_shared>>) offsets(%arg10 : memref<128xi32, #tpu.memory_space<vmem>>) semaphore(%run_scoped3A : memref<!tpu.dma_semaphore, #tpu.memory_space<semaphore_mem>>) {add = true}
        %dma_wait3A_98 = arith.constant 0 : i32
        %dma_wait3A_99 = arith.constant 0 : i32
        %dma_wait3A_100 = tpu.memref_slice %arg13[%dma_wait3A_98, %dma_wait3A_99] : memref<10000x128xf32, #tpu.memory_space<vmem_shared>> -> memref<10000x128xf32, #tpu.memory_space<vmem_shared>>
        tpu.wait_indirect_dma semaphore(%run_scoped3A : memref<!tpu.dma_semaphore, #tpu.memory_space<semaphore_mem>>) src(%arg12 : memref<128x128xf32, #tpu.memory_space<vmem>>) dst(%dma_wait3A_100 : memref<10000x128xf32, #tpu.memory_space<vmem_shared>>)
        tpu.yield
      }) : () -> ()
      %add3A_88 = arith.constant 2 : i32
      %add3A_89 = arith.addi %add3A_73, %add3A_88 : i32
      %lt3A_90 = arith.constant 160 : i32
      %lt3A_91 = arith.cmpi slt, %add3A_89, %lt3A_90 : i32
      %convert_element_type3A_92 = arith.extui %lt3A_91 : i1 to i32
      %cond3A_93 = arith.constant 0 : i32
      %cond3A_94 = arith.cmpi ne, %convert_element_type3A_92, %cond3A_93 : i32
      scf.if %cond3A_94 {
        %add3A_95 = arith.constant 2 : i32
        %add3A_96 = arith.addi %add3A_73, %add3A_95 : i32
        %mul3A_97 = arith.constant 128 : i32
        %mul3A_98 = arith.muli %add3A_96, %mul3A_97 : i32
        %add3A_99 = arith.addi %mul3A_6, %mul3A_98 : i32
        %dma_start3A_100 = tpu.memref_slice %arg4[%add3A_99] : memref<327680xi32, #tpu.memory_space<hbm>> -> memref<128xi32, #tpu.memory_space<hbm>>
        %dma_start3A_101 = tpu.memref_slice %arg4[%add3A_99] : memref<327680xi32, #tpu.memory_space<hbm>> -> memref<128xi32, #tpu.memory_space<hbm>>
        tpu.enqueue_dma source(%dma_start3A_101 : memref<128xi32, #tpu.memory_space<hbm>>) target(%arg10 : memref<128xi32, #tpu.memory_space<vmem>>) target_semaphore(%arg19 : memref<!tpu.dma_semaphore, #tpu.memory_space<semaphore_mem>>)
        %dma_wait3A_102 = arith.constant 0 : i32
        %dma_wait3A_103 = tpu.memref_slice %arg3[%dma_wait3A_102] : memref<655360xi32, #tpu.memory_space<hbm>> -> memref<128xi32, #tpu.memory_space<hbm>>
        %dma_wait3A_104 = arith.constant 0 : i32
        %dma_wait3A_105 = tpu.memref_slice %arg3[%dma_wait3A_104] : memref<655360xi32, #tpu.memory_space<hbm>> -> memref<128xi32, #tpu.memory_space<hbm>>
        tpu.wait_dma2 semaphore(%arg17 : memref<!tpu.dma_semaphore, #tpu.memory_space<semaphore_mem>>) src(%dma_wait3A_105 : memref<128xi32, #tpu.memory_space<hbm>>) dst(%arg8 : memref<128xi32, #tpu.memory_space<vmem>>)
        %dma_start3A_106 = arith.constant 0 : i32
        %dma_start3A_107 = arith.constant 0 : i32
        %dma_start3A_108 = tpu.memref_slice %arg2[%dma_start3A_106, %dma_start3A_107] : memref<20064x128xf32, #tpu.memory_space<hbm>> -> memref<20064x128xf32, #tpu.memory_space<hbm>>
        tpu.enqueue_indirect_dma source(%dma_start3A_108 : memref<20064x128xf32, #tpu.memory_space<hbm>>) target(%arg12 : memref<128x128xf32, #tpu.memory_space<vmem>>) offsets(%arg8 : memref<128xi32, #tpu.memory_space<vmem>>) semaphore(%arg15 : memref<!tpu.dma_semaphore, #tpu.memory_space<semaphore_mem>>)
      } else {
      }
    }
    %scan3A_39 = arith.constant 80 : i32
    %barrier3A_40 = arith.constant 0 : index
    tpu.barrier barrier_id(%barrier3A_40)
    %lt3A_41 = arith.constant 10 : i32
    %lt3A_42 = arith.cmpi slt, %arg1, %lt3A_41 : i32
    %convert_element_type3A_43 = arith.extui %lt3A_42 : i1 to i32
    %cond3A_44 = arith.constant 0 : i32
    %cond3A_45 = arith.cmpi ne, %convert_element_type3A_43, %cond3A_44 : i32
    scf.if %cond3A_45 {
      %mul3A_46 = arith.constant 1000 : i32
      %mul3A_47 = arith.muli %arg1, %mul3A_46 : i32
      %mul3A_48 = arith.constant 10000 : i32
      %mul3A_49 = arith.muli %arg0, %mul3A_48 : i32
      %mul3A_50 = arith.constant 1000 : i32
      %mul3A_51 = arith.muli %arg1, %mul3A_50 : i32
      %add3A_52 = arith.addi %mul3A_49, %mul3A_51 : i32
      "tpu.region"() ({
        %run_scoped3A = tpu.sem_alloc : memref<!tpu.dma_semaphore, #tpu.memory_space<semaphore_mem>>
        %dma_start3A_53 = arith.constant 0 : i32
        %dma_start3A_54 = tpu.memref_slice %arg6[%add3A_52, %dma_start3A_53] : memref<20000x128xf32, #tpu.memory_space<hbm>> -> memref<1000x128xf32, #tpu.memory_space<hbm>>
        %dma_start3A_55 = arith.constant 0 : i32
        %dma_start3A_56 = tpu.memref_slice %arg13[%mul3A_47, %dma_start3A_55] : memref<10000x128xf32, #tpu.memory_space<vmem_shared>> -> memref<1000x128xf32, #tpu.memory_space<vmem_shared>>
        tpu.enqueue_dma source(%dma_start3A_56 : memref<1000x128xf32, #tpu.memory_space<vmem_shared>>) target(%dma_start3A_54 : memref<1000x128xf32, #tpu.memory_space<hbm>>) target_semaphore(%run_scoped3A : memref<!tpu.dma_semaphore, #tpu.memory_space<semaphore_mem>>)
        %dma_wait3A_57 = arith.constant 0 : i32
        %dma_wait3A_58 = tpu.memref_slice %arg6[%add3A_52, %dma_wait3A_57] : memref<20000x128xf32, #tpu.memory_space<hbm>> -> memref<1000x128xf32, #tpu.memory_space<hbm>>
        %dma_wait3A_59 = arith.constant 0 : i32
        %dma_wait3A_60 = tpu.memref_slice %arg13[%mul3A_47, %dma_wait3A_59] : memref<10000x128xf32, #tpu.memory_space<vmem_shared>> -> memref<1000x128xf32, #tpu.memory_space<vmem_shared>>
        tpu.wait_dma2 semaphore(%run_scoped3A : memref<!tpu.dma_semaphore, #tpu.memory_space<semaphore_mem>>) src(%dma_wait3A_60 : memref<1000x128xf32, #tpu.memory_space<vmem_shared>>) dst(%dma_wait3A_58 : memref<1000x128xf32, #tpu.memory_space<hbm>>)
        tpu.yield
      }) : () -> ()
    } else {
    }
    return
  }
}

module attributes {stable_mosaic.version = 14 : i64} {
  func.func @_tc_layer1_body(%arg0: i32, %arg1: memref<1000x128xf32, #tpu.memory_space<vmem>>, %arg2: memref<1000x128xf32, #tpu.memory_space<vmem>>, %arg3: memref<1000x128xf32, #tpu.memory_space<vmem>>, %arg4: memref<128x256xf32, #tpu.memory_space<vmem>>, %arg5: memref<1x256xf32, #tpu.memory_space<vmem>>, %arg6: memref<128x256xf32, #tpu.memory_space<vmem>>, %arg7: memref<1x256xf32, #tpu.memory_space<vmem>>, %arg8: memref<1x256xf32, #tpu.memory_space<vmem>>, %arg9: memref<1x256xf32, #tpu.memory_space<vmem>>, %arg10: memref<2x1000x128xf32, #tpu.memory_space<vmem>>) attributes {dimension_semantics = [#tpu.dimension_semantics<arbitrary>], iteration_bounds = array<i64: 10>, scalar_prefetch = 0 : i64, scratch_operands = 0 : i64, tpu.core_type = #tpu.core_type<tc>, window_params = [{transform_indices = @transform_0, window_bounds = array<i64: 1000, 128>}, {transform_indices = @transform_1, window_bounds = array<i64: 1000, 128>}, {transform_indices = @transform_2, window_bounds = array<i64: 1000, 128>}, {pipeline_mode = #tpu.pipeline_mode<synchronous>, transform_indices = @transform_3, window_bounds = array<i64: 128, 256>}, {pipeline_mode = #tpu.pipeline_mode<synchronous>, transform_indices = @transform_4, window_bounds = array<i64: 1, 256>}, {pipeline_mode = #tpu.pipeline_mode<synchronous>, transform_indices = @transform_5, window_bounds = array<i64: 128, 256>}, {pipeline_mode = #tpu.pipeline_mode<synchronous>, transform_indices = @transform_6, window_bounds = array<i64: 1, 256>}, {pipeline_mode = #tpu.pipeline_mode<synchronous>, transform_indices = @transform_7, window_bounds = array<i64: 1, 256>}, {pipeline_mode = #tpu.pipeline_mode<synchronous>, transform_indices = @transform_8, window_bounds = array<i64: 1, 256>}, {transform_indices = @transform_9, window_bounds = array<i64: 2, 1000, 128>}]} {
    %get3A = arith.constant 0 : index
    %get3A_0 = arith.constant 0 : index
    %get3A_1 = vector.load %arg1[%get3A, %get3A_0] : memref<1000x128xf32, #tpu.memory_space<vmem>>, vector<1000x128xf32>
    %get3A_2 = arith.constant 0 : index
    %get3A_3 = arith.constant 0 : index
    %get3A_4 = vector.load %arg2[%get3A_2, %get3A_3] : memref<1000x128xf32, #tpu.memory_space<vmem>>, vector<1000x128xf32>
    %add3A = arith.addf %get3A_1, %get3A_4 : vector<1000x128xf32>
    %get3A_5 = arith.constant 0 : index
    %get3A_6 = arith.constant 0 : index
    %get3A_7 = vector.load %arg4[%get3A_5, %get3A_6] : memref<128x256xf32, #tpu.memory_space<vmem>>, vector<128x256xf32>
    %dot_general3A = arith.constant dense<0.000000e+00> : vector<1000x256xf32>
    %dot_general3A_8 = tpu.matmul %add3A, %get3A_7, %dot_general3A {dimension_numbers = #tpu.dot_dimension_numbers<[1], [0], [0], [1], [0, 0, 1, 1], [], []>, transpose_lhs_hint = false} : vector<1000x128xf32>, vector<128x256xf32>, vector<1000x256xf32> -> vector<1000x256xf32>
    %get3A_9 = arith.constant 0 : index
    %get3A_10 = arith.constant 0 : index
    %get3A_11 = vector.load %arg5[%get3A_9, %get3A_10] : memref<1x256xf32, #tpu.memory_space<vmem>>, vector<1x256xf32>
    %add3A_12 = vector.broadcast %get3A_11 : vector<1x256xf32> to vector<1000x256xf32>
    %add3A_13 = arith.addf %dot_general3A_8, %add3A_12 : vector<1000x256xf32>
    %max3A = arith.constant 0.000000e+00 : f32
    %max3A_14 = vector.broadcast %max3A : f32 to vector<1000x256xf32>
    %max3A_15 = arith.maximumf %add3A_13, %max3A_14 : vector<1000x256xf32>
    %get3A_16 = arith.constant 0 : index
    %get3A_17 = arith.constant 0 : index
    %get3A_18 = vector.load %arg3[%get3A_16, %get3A_17] : memref<1000x128xf32, #tpu.memory_space<vmem>>, vector<1000x128xf32>
    %get3A_19 = arith.constant 0 : index
    %get3A_20 = arith.constant 0 : index
    %get3A_21 = vector.load %arg6[%get3A_19, %get3A_20] : memref<128x256xf32, #tpu.memory_space<vmem>>, vector<128x256xf32>
    %dot_general3A_22 = arith.constant dense<0.000000e+00> : vector<1000x256xf32>
    %dot_general3A_23 = tpu.matmul %get3A_18, %get3A_21, %dot_general3A_22 {dimension_numbers = #tpu.dot_dimension_numbers<[1], [0], [0], [1], [0, 0, 1, 1], [], []>, transpose_lhs_hint = false} : vector<1000x128xf32>, vector<128x256xf32>, vector<1000x256xf32> -> vector<1000x256xf32>
    %get3A_24 = arith.constant 0 : index
    %get3A_25 = arith.constant 0 : index
    %get3A_26 = vector.load %arg7[%get3A_24, %get3A_25] : memref<1x256xf32, #tpu.memory_space<vmem>>, vector<1x256xf32>
    %add3A_27 = vector.broadcast %get3A_26 : vector<1x256xf32> to vector<1000x256xf32>
    %add3A_28 = arith.addf %dot_general3A_23, %add3A_27 : vector<1000x256xf32>
    %max3A_29 = arith.constant 0.000000e+00 : f32
    %max3A_30 = vector.broadcast %max3A_29 : f32 to vector<1000x256xf32>
    %max3A_31 = arith.maximumf %add3A_28, %max3A_30 : vector<1000x256xf32>
    %add3A_32 = arith.addf %max3A_15, %max3A_31 : vector<1000x256xf32>
    %get3A_33 = arith.constant 0 : index
    %get3A_34 = arith.constant 0 : index
    %get3A_35 = vector.load %arg8[%get3A_33, %get3A_34] : memref<1x256xf32, #tpu.memory_space<vmem>>, vector<1x256xf32>
    %mul3A = arith.constant 0.999994993 : f32
    %mul3A_36 = vector.broadcast %mul3A : f32 to vector<1x256xf32>
    %mul3A_37 = arith.mulf %get3A_35, %mul3A_36 : vector<1x256xf32>
    %mul3A_38 = vector.broadcast %mul3A_37 : vector<1x256xf32> to vector<1000x256xf32>
    %mul3A_39 = arith.mulf %add3A_32, %mul3A_38 : vector<1000x256xf32>
    %get3A_40 = arith.constant 0 : index
    %get3A_41 = arith.constant 0 : index
    %get3A_42 = vector.load %arg9[%get3A_40, %get3A_41] : memref<1x256xf32, #tpu.memory_space<vmem>>, vector<1x256xf32>
    %add3A_43 = vector.broadcast %get3A_42 : vector<1x256xf32> to vector<1000x256xf32>
    %add3A_44 = arith.addf %mul3A_39, %add3A_43 : vector<1000x256xf32>
    %slice3A = vector.extract_strided_slice %add3A_44 {offsets = [0, 0], sizes = [1000, 128], strides = [1, 1]} : vector<1000x256xf32> to vector<1000x128xf32>
    %swap3A = arith.constant 0 : index
    %swap3A_45 = arith.constant 0 : index
    %swap3A_46 = arith.constant 0 : index
    %swap3A_47 = vector.load %arg10[%swap3A, %swap3A_45, %swap3A_46] : memref<2x1000x128xf32, #tpu.memory_space<vmem>>, vector<1x1000x128xf32>
    %swap3A_48 = vector.shape_cast %swap3A_47 : vector<1x1000x128xf32> to vector<1000x128xf32>
    %swap3A_49 = vector.shape_cast %slice3A : vector<1000x128xf32> to vector<1x1000x128xf32>
    tpu.vector_store %arg10[%swap3A, %swap3A_45, %swap3A_46], %swap3A_49 {strides = array<i32>} : memref<2x1000x128xf32, #tpu.memory_space<vmem>>, vector<1x1000x128xf32>,
    %slice3A_50 = vector.extract_strided_slice %add3A_44 {offsets = [0, 128], sizes = [1000, 128], strides = [1, 1]} : vector<1000x256xf32> to vector<1000x128xf32>
    %swap3A_51 = arith.constant 1 : index
    %swap3A_52 = arith.constant 0 : index
    %swap3A_53 = arith.constant 0 : index
    %swap3A_54 = vector.load %arg10[%swap3A_51, %swap3A_52, %swap3A_53] : memref<2x1000x128xf32, #tpu.memory_space<vmem>>, vector<1x1000x128xf32>
    %swap3A_55 = vector.shape_cast %swap3A_54 : vector<1x1000x128xf32> to vector<1000x128xf32>
    %swap3A_56 = vector.shape_cast %slice3A_50 : vector<1000x128xf32> to vector<1x1000x128xf32>
    tpu.vector_store %arg10[%swap3A_51, %swap3A_52, %swap3A_53], %swap3A_56 {strides = array<i32>} : memref<2x1000x128xf32, #tpu.memory_space<vmem>>, vector<1x1000x128xf32>,
    return
  }
  func.func @transform_0(%arg0: i32) -> (i32, i32) {
    %c0_i32 = arith.constant 0 : i32
    %c0_i32_0 = arith.constant 0 : i32
    return %arg0, %c0_i32 : i32, i32
  }
  func.func @transform_1(%arg0: i32) -> (i32, i32) {
    %add3A = arith.constant 10 : i32
    %add3A_0 = arith.addi %arg0, %add3A : i32
    %c0_i32 = arith.constant 0 : i32
    %c0_i32_1 = arith.constant 0 : i32
    return %add3A_0, %c0_i32 : i32, i32
  }
  func.func @transform_2(%arg0: i32) -> (i32, i32) {
    %c0_i32 = arith.constant 0 : i32
    %c0_i32_0 = arith.constant 0 : i32
    return %arg0, %c0_i32 : i32, i32
  }
  func.func @transform_3(%arg0: i32) -> (i32, i32) {
    %c0_i32 = arith.constant 0 : i32
    %c0_i32_0 = arith.constant 0 : i32
    %c0_i32_1 = arith.constant 0 : i32
    return %c0_i32, %c0_i32_0 : i32, i32
  }
  func.func @transform_4(%arg0: i32) -> (i32, i32) {
    %c0_i32 = arith.constant 0 : i32
    %c0_i32_0 = arith.constant 0 : i32
    %c0_i32_1 = arith.constant 0 : i32
    return %c0_i32, %c0_i32_0 : i32, i32
  }
  func.func @transform_5(%arg0: i32) -> (i32, i32) {
    %c0_i32 = arith.constant 0 : i32
    %c0_i32_0 = arith.constant 0 : i32
    %c0_i32_1 = arith.constant 0 : i32
    return %c0_i32, %c0_i32_0 : i32, i32
  }
  func.func @transform_6(%arg0: i32) -> (i32, i32) {
    %c0_i32 = arith.constant 0 : i32
    %c0_i32_0 = arith.constant 0 : i32
    %c0_i32_1 = arith.constant 0 : i32
    return %c0_i32, %c0_i32_0 : i32, i32
  }
  func.func @transform_7(%arg0: i32) -> (i32, i32) {
    %c0_i32 = arith.constant 0 : i32
    %c0_i32_0 = arith.constant 0 : i32
    %c0_i32_1 = arith.constant 0 : i32
    return %c0_i32, %c0_i32_0 : i32, i32
  }
  func.func @transform_8(%arg0: i32) -> (i32, i32) {
    %c0_i32 = arith.constant 0 : i32
    %c0_i32_0 = arith.constant 0 : i32
    %c0_i32_1 = arith.constant 0 : i32
    return %c0_i32, %c0_i32_0 : i32, i32
  }
  func.func @transform_9(%arg0: i32) -> (i32, i32, i32) {
    %c0_i32 = arith.constant 0 : i32
    %c0_i32_0 = arith.constant 0 : i32
    %c0_i32_1 = arith.constant 0 : i32
    return %c0_i32, %arg0, %c0_i32_0 : i32, i32, i32
  }
}

module attributes {stable_mosaic.version = 14 : i64} {
  func.func @_tc_layer2_body(%arg0: i32, %arg1: memref<1000x128xf32, #tpu.memory_space<vmem>>, %arg2: memref<1000x128xf32, #tpu.memory_space<vmem>>, %arg3: memref<1000x128xf32, #tpu.memory_space<vmem>>, %arg4: memref<1000x128xf32, #tpu.memory_space<vmem>>, %arg5: memref<256x256xf32, #tpu.memory_space<vmem>>, %arg6: memref<1x256xf32, #tpu.memory_space<vmem>>, %arg7: memref<256x256xf32, #tpu.memory_space<vmem>>, %arg8: memref<1x256xf32, #tpu.memory_space<vmem>>, %arg9: memref<1x256xf32, #tpu.memory_space<vmem>>, %arg10: memref<1x256xf32, #tpu.memory_space<vmem>>, %arg11: memref<256x1xf32, #tpu.memory_space<vmem>>, %arg12: memref<1x1xf32, #tpu.memory_space<vmem>>, %arg13: memref<1x1x1000xi32, #tpu.memory_space<vmem>>, %arg14: memref<1000x256xf32, #tpu.memory_space<vmem>>, %arg15: memref<256x256xf32, #tpu.memory_space<vmem>>) attributes {dimension_semantics = [#tpu.dimension_semantics<arbitrary>], iteration_bounds = array<i64: 10>, scalar_prefetch = 0 : i64, scratch_operands = 0 : i64, tpu.core_type = #tpu.core_type<tc>, window_params = [{transform_indices = @transform_0, window_bounds = array<i64: 1000, 128>}, {transform_indices = @transform_1, window_bounds = array<i64: 1000, 128>}, {transform_indices = @transform_2, window_bounds = array<i64: 1000, 128>}, {transform_indices = @transform_3, window_bounds = array<i64: 1000, 128>}, {pipeline_mode = #tpu.pipeline_mode<synchronous>, transform_indices = @transform_4, window_bounds = array<i64: 256, 256>}, {pipeline_mode = #tpu.pipeline_mode<synchronous>, transform_indices = @transform_5, window_bounds = array<i64: 1, 256>}, {pipeline_mode = #tpu.pipeline_mode<synchronous>, transform_indices = @transform_6, window_bounds = array<i64: 256, 256>}, {pipeline_mode = #tpu.pipeline_mode<synchronous>, transform_indices = @transform_7, window_bounds = array<i64: 1, 256>}, {pipeline_mode = #tpu.pipeline_mode<synchronous>, transform_indices = @transform_8, window_bounds = array<i64: 1, 256>}, {pipeline_mode = #tpu.pipeline_mode<synchronous>, transform_indices = @transform_9, window_bounds = array<i64: 1, 256>}, {pipeline_mode = #tpu.pipeline_mode<synchronous>, transform_indices = @transform_10, window_bounds = array<i64: 256, 1>}, {pipeline_mode = #tpu.pipeline_mode<synchronous>, transform_indices = @transform_11, window_bounds = array<i64: 1, 1>}, {transform_indices = @transform_12, window_bounds = array<i64: 1, 1, 1000>}, {transform_indices = @transform_13, window_bounds = array<i64: 1000, 256>}, {pipeline_mode = #tpu.pipeline_mode<synchronous>, transform_indices = @transform_14, window_bounds = array<i64: 256, 256>}]} {
    %get3A = arith.constant 0 : index
    %get3A_0 = arith.constant 0 : index
    %get3A_1 = vector.load %arg1[%get3A, %get3A_0] : memref<1000x128xf32, #tpu.memory_space<vmem>>, vector<1000x128xf32>
    %get3A_2 = arith.constant 0 : index
    %get3A_3 = arith.constant 0 : index
    %get3A_4 = vector.load %arg2[%get3A_2, %get3A_3] : memref<1000x128xf32, #tpu.memory_space<vmem>>, vector<1000x128xf32>
    %concatenate3A = tpu.concatenate %get3A_1, %get3A_4 in 1 : vector<1000x128xf32>, vector<1000x128xf32> -> vector<1000x256xf32>
    %get3A_5 = arith.constant 0 : index
    %get3A_6 = arith.constant 0 : index
    %get3A_7 = vector.load %arg5[%get3A_5, %get3A_6] : memref<256x256xf32, #tpu.memory_space<vmem>>, vector<256x256xf32>
    %dot_general3A = arith.constant dense<0.000000e+00> : vector<1000x256xf32>
    %dot_general3A_8 = tpu.matmul %concatenate3A, %get3A_7, %dot_general3A {dimension_numbers = #tpu.dot_dimension_numbers<[1], [0], [0], [1], [0, 0, 1, 1], [], []>, transpose_lhs_hint = false} : vector<1000x256xf32>, vector<256x256xf32>, vector<1000x256xf32> -> vector<1000x256xf32>
    %get3A_9 = arith.constant 0 : index
    %get3A_10 = arith.constant 0 : index
    %get3A_11 = vector.load %arg3[%get3A_9, %get3A_10] : memref<1000x128xf32, #tpu.memory_space<vmem>>, vector<1000x128xf32>
    %get3A_12 = arith.constant 0 : index
    %get3A_13 = arith.constant 0 : index
    %get3A_14 = vector.load %arg4[%get3A_12, %get3A_13] : memref<1000x128xf32, #tpu.memory_space<vmem>>, vector<1000x128xf32>
    %concatenate3A_15 = tpu.concatenate %get3A_11, %get3A_14 in 1 : vector<1000x128xf32>, vector<1000x128xf32> -> vector<1000x256xf32>
    %get3A_16 = arith.constant 0 : index
    %get3A_17 = arith.constant 0 : index
    %get3A_18 = vector.load %arg7[%get3A_16, %get3A_17] : memref<256x256xf32, #tpu.memory_space<vmem>>, vector<256x256xf32>
    %dot_general3A_19 = arith.constant dense<0.000000e+00> : vector<1000x256xf32>
    %dot_general3A_20 = tpu.matmul %concatenate3A_15, %get3A_18, %dot_general3A_19 {dimension_numbers = #tpu.dot_dimension_numbers<[1], [0], [0], [1], [0, 0, 1, 1], [], []>, transpose_lhs_hint = false} : vector<1000x256xf32>, vector<256x256xf32>, vector<1000x256xf32> -> vector<1000x256xf32>
    %get3A_21 = arith.constant 0 : index
    %get3A_22 = arith.constant 0 : index
    %get3A_23 = vector.load %arg6[%get3A_21, %get3A_22] : memref<1x256xf32, #tpu.memory_space<vmem>>, vector<1x256xf32>
    %add3A = vector.broadcast %get3A_23 : vector<1x256xf32> to vector<1000x256xf32>
    %add3A_24 = arith.addf %dot_general3A_8, %add3A : vector<1000x256xf32>
    %max3A = arith.constant 0.000000e+00 : f32
    %max3A_25 = vector.broadcast %max3A : f32 to vector<1000x256xf32>
    %max3A_26 = arith.maximumf %add3A_24, %max3A_25 : vector<1000x256xf32>
    %get3A_27 = arith.constant 0 : index
    %get3A_28 = arith.constant 0 : index
    %get3A_29 = vector.load %arg8[%get3A_27, %get3A_28] : memref<1x256xf32, #tpu.memory_space<vmem>>, vector<1x256xf32>
    %add3A_30 = vector.broadcast %get3A_29 : vector<1x256xf32> to vector<1000x256xf32>
    %add3A_31 = arith.addf %dot_general3A_20, %add3A_30 : vector<1000x256xf32>
    %max3A_32 = arith.constant 0.000000e+00 : f32
    %max3A_33 = vector.broadcast %max3A_32 : f32 to vector<1000x256xf32>
    %max3A_34 = arith.maximumf %add3A_31, %max3A_33 : vector<1000x256xf32>
    %add3A_35 = arith.addf %max3A_26, %max3A_34 : vector<1000x256xf32>
    %get3A_36 = arith.constant 0 : index
    %get3A_37 = arith.constant 0 : index
    %get3A_38 = vector.load %arg9[%get3A_36, %get3A_37] : memref<1x256xf32, #tpu.memory_space<vmem>>, vector<1x256xf32>
    %mul3A = arith.constant 0.999994993 : f32
    %mul3A_39 = vector.broadcast %mul3A : f32 to vector<1x256xf32>
    %mul3A_40 = arith.mulf %get3A_38, %mul3A_39 : vector<1x256xf32>
    %mul3A_41 = vector.broadcast %mul3A_40 : vector<1x256xf32> to vector<1000x256xf32>
    %mul3A_42 = arith.mulf %add3A_35, %mul3A_41 : vector<1000x256xf32>
    %get3A_43 = arith.constant 0 : index
    %get3A_44 = arith.constant 0 : index
    %get3A_45 = vector.load %arg10[%get3A_43, %get3A_44] : memref<1x256xf32, #tpu.memory_space<vmem>>, vector<1x256xf32>
    %add3A_46 = vector.broadcast %get3A_45 : vector<1x256xf32> to vector<1000x256xf32>
    %add3A_47 = arith.addf %mul3A_42, %add3A_46 : vector<1000x256xf32>
    %swap3A = arith.constant 0 : index
    %swap3A_48 = arith.constant 0 : index
    %swap3A_49 = vector.load %arg14[%swap3A, %swap3A_48] : memref<1000x256xf32, #tpu.memory_space<vmem>>, vector<1000x256xf32>
    tpu.vector_store %arg14[%swap3A, %swap3A_48], %add3A_47 {strides = array<i32>} : memref<1000x256xf32, #tpu.memory_space<vmem>>, vector<1000x256xf32>,
    %get3A_50 = arith.constant 0 : index
    %get3A_51 = arith.constant 0 : index
    %get3A_52 = vector.load %arg11[%get3A_50, %get3A_51] : memref<256x1xf32, #tpu.memory_space<vmem>>, vector<256x1xf32>
    %dot_general3A_53 = arith.constant dense<0.000000e+00> : vector<1000x1xf32>
    %dot_general3A_54 = tpu.matmul %add3A_47, %get3A_52, %dot_general3A_53 {dimension_numbers = #tpu.dot_dimension_numbers<[1], [0], [0], [1], [0, 0, 1, 1], [], []>, transpose_lhs_hint = false} : vector<1000x256xf32>, vector<256x1xf32>, vector<1000x1xf32> -> vector<1000x1xf32>
    %get3A_55 = arith.constant 0 : index
    %get3A_56 = arith.constant 0 : index
    %get3A_57 = vector.load %arg12[%get3A_55, %get3A_56] : memref<1x1xf32, #tpu.memory_space<vmem>>, vector<1x1xf32>
    %get3A_58 = vector.extract %get3A_57[0, 0] : f32 from vector<1x1xf32>
    %add3A_59 = vector.broadcast %get3A_58 : f32 to vector<1000x1xf32>
    %add3A_60 = arith.addf %dot_general3A_54, %add3A_59 : vector<1000x1xf32>
    %logistic3A = arith.negf %add3A_60 : vector<1000x1xf32>
    %logistic3A_61 = math.exp %logistic3A : vector<1000x1xf32>
    %logistic3A_62 = arith.constant 1.000000e+00 : f32
    %logistic3A_63 = vector.broadcast %logistic3A_62 : f32 to vector<1000x1xf32>
    %logistic3A_64 = arith.addf %logistic3A_63, %logistic3A_61 : vector<1000x1xf32>
    %logistic3A_65 = arith.divf %logistic3A_63, %logistic3A_64 : vector<1000x1xf32>
    %mul3A_66 = vector.broadcast %logistic3A_65 : vector<1000x1xf32> to vector<1000x256xf32>
    %mul3A_67 = arith.mulf %mul3A_66, %add3A_47 : vector<1000x256xf32>
    %get3A_68 = arith.constant 0 : index
    %get3A_69 = arith.constant 0 : index
    %get3A_70 = arith.constant 0 : index
    %get3A_71 = vector.load %arg13[%get3A_68, %get3A_69, %get3A_70] : memref<1x1x1000xi32, #tpu.memory_space<vmem>>, vector<1x1x1000xi32>
    %get3A_72 = vector.shape_cast %get3A_71 : vector<1x1x1000xi32> to vector<1000xi32>
    %broadcast_in_dim3A = vector.shape_cast %get3A_72 : vector<1000xi32> to vector<1000x1xi32>
    %iota3A = tpu.iota {dimensions = array<i32: 1>} : vector<1000x256xi32>
    %eq3A = vector.broadcast %broadcast_in_dim3A : vector<1000x1xi32> to vector<1000x256xi32>
    %eq3A_73 = arith.cmpi eq, %eq3A, %iota3A : vector<1000x256xi32>
    %convert_element_type3A = arith.extui %eq3A_73 : vector<1000x256xi1> to vector<1000x256xi32>
    %convert_element_type3A_74 = arith.sitofp %convert_element_type3A : vector<1000x256xi32> to vector<1000x256xf32>
    %dot_general3A_75 = arith.constant dense<0.000000e+00> : vector<256x256xf32>
    %dot_general3A_76 = tpu.matmul %convert_element_type3A_74, %mul3A_67, %dot_general3A_75 {dimension_numbers = #tpu.dot_dimension_numbers<[0], [0], [1], [1], [0, 1, 1, 1], [], []>, precision = #tpu.contract_precision<fp32>, transpose_lhs_hint = false} : vector<1000x256xf32>, vector<1000x256xf32>, vector<256x256xf32> -> vector<256x256xf32>
    %eq3A_77 = arith.constant 0 : i32
    %eq3A_78 = arith.cmpi eq, %arg0, %eq3A_77 : i32
    %convert_element_type3A_79 = arith.extui %eq3A_78 : i1 to i32
    %cond3A = arith.constant 0 : i32
    %cond3A_80 = arith.cmpi ne, %convert_element_type3A_79, %cond3A : i32
    scf.if %cond3A_80 {
      %broadcast_in_dim3A_88 = arith.constant 0.000000e+00 : f32
      %broadcast_in_dim3A_89 = vector.broadcast %broadcast_in_dim3A_88 : f32 to vector<256x256xf32>
      %swap3A_90 = arith.constant 0 : index
      %swap3A_91 = arith.constant 0 : index
      %swap3A_92 = vector.load %arg15[%swap3A_90, %swap3A_91] : memref<256x256xf32, #tpu.memory_space<vmem>>, vector<256x256xf32>
      tpu.vector_store %arg15[%swap3A_90, %swap3A_91], %broadcast_in_dim3A_89 {strides = array<i32>} : memref<256x256xf32, #tpu.memory_space<vmem>>, vector<256x256xf32>,
    } else {
    }
    %get3A_81 = arith.constant 0 : index
    %get3A_82 = arith.constant 0 : index
    %get3A_83 = vector.load %arg15[%get3A_81, %get3A_82] : memref<256x256xf32, #tpu.memory_space<vmem>>, vector<256x256xf32>
    %add3A_84 = arith.addf %get3A_83, %dot_general3A_76 : vector<256x256xf32>
    %swap3A_85 = arith.constant 0 : index
    %swap3A_86 = arith.constant 0 : index
    %swap3A_87 = vector.load %arg15[%swap3A_85, %swap3A_86] : memref<256x256xf32, #tpu.memory_space<vmem>>, vector<256x256xf32>
    tpu.vector_store %arg15[%swap3A_85, %swap3A_86], %add3A_84 {strides = array<i32>} : memref<256x256xf32, #tpu.memory_space<vmem>>, vector<256x256xf32>,
    return
  }
  func.func @transform_0(%arg0: i32) -> (i32, i32) {
    %c0_i32 = arith.constant 0 : i32
    %c0_i32_0 = arith.constant 0 : i32
    return %arg0, %c0_i32 : i32, i32
  }
  func.func @transform_1(%arg0: i32) -> (i32, i32) {
    %add3A = arith.constant 10 : i32
    %add3A_0 = arith.addi %arg0, %add3A : i32
    %c0_i32 = arith.constant 0 : i32
    %c0_i32_1 = arith.constant 0 : i32
    return %add3A_0, %c0_i32 : i32, i32
  }
  func.func @transform_2(%arg0: i32) -> (i32, i32) {
    %c0_i32 = arith.constant 0 : i32
    %c0_i32_0 = arith.constant 0 : i32
    return %arg0, %c0_i32 : i32, i32
  }
  func.func @transform_3(%arg0: i32) -> (i32, i32) {
    %add3A = arith.constant 10 : i32
    %add3A_0 = arith.addi %arg0, %add3A : i32
    %c0_i32 = arith.constant 0 : i32
    %c0_i32_1 = arith.constant 0 : i32
    return %add3A_0, %c0_i32 : i32, i32
  }
  func.func @transform_4(%arg0: i32) -> (i32, i32) {
    %c0_i32 = arith.constant 0 : i32
    %c0_i32_0 = arith.constant 0 : i32
    %c0_i32_1 = arith.constant 0 : i32
    return %c0_i32, %c0_i32_0 : i32, i32
  }
  func.func @transform_5(%arg0: i32) -> (i32, i32) {
    %c0_i32 = arith.constant 0 : i32
    %c0_i32_0 = arith.constant 0 : i32
    %c0_i32_1 = arith.constant 0 : i32
    return %c0_i32, %c0_i32_0 : i32, i32
  }
  func.func @transform_6(%arg0: i32) -> (i32, i32) {
    %c0_i32 = arith.constant 0 : i32
    %c0_i32_0 = arith.constant 0 : i32
    %c0_i32_1 = arith.constant 0 : i32
    return %c0_i32, %c0_i32_0 : i32, i32
  }
  func.func @transform_7(%arg0: i32) -> (i32, i32) {
    %c0_i32 = arith.constant 0 : i32
    %c0_i32_0 = arith.constant 0 : i32
    %c0_i32_1 = arith.constant 0 : i32
    return %c0_i32, %c0_i32_0 : i32, i32
  }
  func.func @transform_8(%arg0: i32) -> (i32, i32) {
    %c0_i32 = arith.constant 0 : i32
    %c0_i32_0 = arith.constant 0 : i32
    %c0_i32_1 = arith.constant 0 : i32
    return %c0_i32, %c0_i32_0 : i32, i32
  }
  func.func @transform_9(%arg0: i32) -> (i32, i32) {
    %c0_i32 = arith.constant 0 : i32
    %c0_i32_0 = arith.constant 0 : i32
    %c0_i32_1 = arith.constant 0 : i32
    return %c0_i32, %c0_i32_0 : i32, i32
  }
  func.func @transform_10(%arg0: i32) -> (i32, i32) {
    %c0_i32 = arith.constant 0 : i32
    %c0_i32_0 = arith.constant 0 : i32
    %c0_i32_1 = arith.constant 0 : i32
    return %c0_i32, %c0_i32_0 : i32, i32
  }
  func.func @transform_11(%arg0: i32) -> (i32, i32) {
    %c0_i32 = arith.constant 0 : i32
    %c0_i32_0 = arith.constant 0 : i32
    %c0_i32_1 = arith.constant 0 : i32
    return %c0_i32, %c0_i32_0 : i32, i32
  }
  func.func @transform_12(%arg0: i32) -> (i32, i32, i32) {
    %c0_i32 = arith.constant 0 : i32
    %c0_i32_0 = arith.constant 0 : i32
    %c0_i32_1 = arith.constant 0 : i32
    return %arg0, %c0_i32, %c0_i32_0 : i32, i32, i32
  }
  func.func @transform_13(%arg0: i32) -> (i32, i32) {
    %c0_i32 = arith.constant 0 : i32
    %c0_i32_0 = arith.constant 0 : i32
    return %arg0, %c0_i32 : i32, i32
  }
  func.func @transform_14(%arg0: i32) -> (i32, i32) {
    %c0_i32 = arith.constant 0 : i32
    %c0_i32_0 = arith.constant 0 : i32
    %c0_i32_1 = arith.constant 0 : i32
    return %c0_i32, %c0_i32_0 : i32, i32
  }
}

module attributes {stable_mosaic.version = 14 : i64} {
  func.func @_tc_combine_body(%arg0: i32, %arg1: memref<32x256x256xf32, #tpu.memory_space<vmem>>, %arg2: memref<256x256xf32, #tpu.memory_space<vmem>>, %arg3: memref<256x512xf32, #tpu.memory_space<vmem>>) attributes {dimension_semantics = [#tpu.dimension_semantics<arbitrary>], iteration_bounds = array<i64: 1>, scalar_prefetch = 0 : i64, scratch_operands = 0 : i64, tpu.core_type = #tpu.core_type<tc>, window_params = [{pipeline_mode = #tpu.pipeline_mode<synchronous>, transform_indices = @transform_0, window_bounds = array<i64: 32, 256, 256>}, {pipeline_mode = #tpu.pipeline_mode<synchronous>, transform_indices = @transform_1, window_bounds = array<i64: 256, 256>}, {pipeline_mode = #tpu.pipeline_mode<synchronous>, transform_indices = @transform_2, window_bounds = array<i64: 256, 512>}]} {
    %get3A = arith.constant 0 : index
    %get3A_0 = arith.constant 0 : index
    %get3A_1 = vector.load %arg2[%get3A, %get3A_0] : memref<256x256xf32, #tpu.memory_space<vmem>>, vector<256x256xf32>
    %swap3A = arith.constant 0 : index
    %swap3A_2 = arith.constant 0 : index
    %swap3A_3 = vector.load %arg3[%swap3A, %swap3A_2] : memref<256x512xf32, #tpu.memory_space<vmem>>, vector<256x256xf32>
    tpu.vector_store %arg3[%swap3A, %swap3A_2], %get3A_1 {strides = array<i32>} : memref<256x512xf32, #tpu.memory_space<vmem>>, vector<256x256xf32>,
    %get3A_4 = arith.constant 0 : index
    %get3A_5 = arith.constant 0 : index
    %get3A_6 = arith.constant 0 : index
    %get3A_7 = vector.load %arg1[%get3A_4, %get3A_5, %get3A_6] : memref<32x256x256xf32, #tpu.memory_space<vmem>>, vector<32x256x256xf32>
    %reduce_max3A = arith.constant dense<0xFF800000> : vector<256x256xf32>
    %reduce_max3A_8 = vector.multi_reduction <maximumf>, %get3A_7, %reduce_max3A [0] : vector<32x256x256xf32> to vector<256x256xf32>
    %swap3A_9 = arith.constant 0 : index
    %swap3A_10 = arith.constant 256 : index
    %swap3A_11 = vector.load %arg3[%swap3A_9, %swap3A_10] : memref<256x512xf32, #tpu.memory_space<vmem>>, vector<256x256xf32>
    tpu.vector_store %arg3[%swap3A_9, %swap3A_10], %reduce_max3A_8 {strides = array<i32>} : memref<256x512xf32, #tpu.memory_space<vmem>>, vector<256x256xf32>,
    return
  }
  func.func @transform_0(%arg0: i32) -> (i32, i32, i32) {
    %c0_i32 = arith.constant 0 : i32
    %c0_i32_0 = arith.constant 0 : i32
    %c0_i32_1 = arith.constant 0 : i32
    %c0_i32_2 = arith.constant 0 : i32
    return %c0_i32, %c0_i32_0, %c0_i32_1 : i32, i32, i32
  }
  func.func @transform_1(%arg0: i32) -> (i32, i32) {
    %c0_i32 = arith.constant 0 : i32
    %c0_i32_0 = arith.constant 0 : i32
    %c0_i32_1 = arith.constant 0 : i32
    return %c0_i32, %c0_i32_0 : i32, i32
  }
  func.func @transform_2(%arg0: i32) -> (i32, i32) {
    %c0_i32 = arith.constant 0 : i32
    %c0_i32_0 = arith.constant 0 : i32
    %c0_i32_1 = arith.constant 0 : i32
    return %c0_i32, %c0_i32_0 : i32, i32
  }
}

</mosaic_0001>

<sc_bundles>
// kernel: kernel.11.cloned.1.call-start
scs
__scs_entry_jumppad:
0x0: {  	(pc) =	sbr.rel $0x88, $3  }
0x1: {  	(tag) =	ssettag $0x0;
	lr =	simm.s32 $0x1  }
0x2: {  	[smem:$0x3F90] =	sst lr;
	_ =	strace $0xD0000000  }
0x3: {  	_ = 	snop  }
0x4: {  	_ = 	snop  }
0x5: {  	_ = 	snop  }
0x6: {  	_ = 	snop  }
0x7: {  	_ = 	snop  }
__scs_overlays_trampoline_lowered:
0x8: {  	[smem:$0x3F9F] =	sst s0  }
0x9: {  	[smem:$0x3FA0] =	sst s1  }
0xa: {  	[smem:$0x3FA1] =	sst s2  }
0xb: {  	[smem:$0x3FA2] =	sst s3  }
0xc: {  	[smem:$0x3FA3] =	sst s4  }
0xd: {  	[smem:$0x3FA4] =	sst s5  }
0xe: {  	[smem:$0x3FA5] =	sst s6  }
0xf: {  	[smem:$0x3FA6] =	sst s7  }
0x10: {  	[smem:$0x3FA7] =	sst s8  }
0x11: {  	[smem:$0x3FA8] =	sst s9;
	s0 =	simm.s32 @!p0 $0x0  }
0x12: {  	s1 =	sld [smem:$0x3F8E];
	s0 =	simm.s32 @p0 $0x1  }
0x13: {  	[smem:$0x3FA9] =	sst s0;
	s0 =	simm.s32 @!p1 $0x0  }
0x14: {  	s2 =	sld [smem:$0x3F8D];
	s0 =	simm.s32 @p1 $0x1  }
0x15: {  	[smem:$0x3FAA] =	sst s0;
	s0 =	simm.s32 @!p2 $0x0  }
0x16: {  	s3 =	sld [smem:$0x3FDB];
	s0 =	simm.s32 @p2 $0x1  }
0x17: {  	s4 =	simm.s32 $0x1BF5;
	[smem:$0x3FAC] =	sst s0  }
0x18: {  	s0 =	sld [smem:$0x3F8F];
	_ =	swait.ge [sflag:s4], $0x0  }
0x19: {  	s7 =	sld [smem:$0x3F90]  }
0x1a: {  	s8 =	sadd.s32 $0xFFFFE003, lr  }
0x1b: {  	s9 =	sadd.s32 $0xFFFFFEF7, lr;
	s5 =	simm.s32 $0xFFFFFFFF;
	p2 =	slt.u32 s8, $0xFFFFF086  }
0x1c: {  	p1 =	slt.u32 s9, $0xF7A;
	s5 =	simm.s32 @!p2 $0x0  }
0x1d: {  	s5 =	simm.s32 @p1 $0x1;
	p0 =	seq.s32 s7, s2  }
0x1e: {  	s7 =	smul.u32 @!p0 $0xF7A, s2;
	p2 =	seq.s32 @!p0 s5, $0x0  }
0x1f: {  	s9 =	smul.u32 $0xF7A, s1;
	s8 =	simm.s32 @!p0 $0x1BF5;
	p2 =	por !p2, p0  }
0x20: {  	[sflag:s8] =	ssyncset.s32 @!p0 $0xFFFFF086;
	s6 =	sadd.s32 @!p0 s3, s7;
	s7 =	simm.s32 @!p0 $0x108  }
0x21: {  	s3 =	sadd.s32 s3, s9;
	s6 =	sadd.s32 @!p0 $0x88, s6;
	s7 =	simm.s32 @p2 $0x1082  }
0x22: {  	[simem:s7], [sflag:s8] =	dma.local @!p0 [hbm:s6], $0xF7A  }
0x23: {  	s9 =	sor.u32 $0xD0000000, s2;
	s6 =	simm.s32 $0x108;
	_ =	swait.ge @!p0 [sflag:s8], $0x0  }
0x24: {  	s3 =	sadd.s32 $0x88, s3;
	s6 =	simm.s32 @!p1 $0x1082;
	[sflag:s4] =	ssyncset.s32 $0xFFFFF086  }
0x25: {  	[simem:s6], [sflag:s4] =	dma.local [hbm:s3], $0xF7A  }
0x26: {  	[smem:$0x3F90] =	sst s1;
	(tag) =	ssettag s2;
	_ =	strace s9  }
0x27: {  	s1 =	sld [smem:$0x3FA0]  }
0x28: {  	s2 =	sld [smem:$0x3FA1]  }
0x29: {  	s4 =	sld [smem:$0x3FA3]  }
0x2a: {  	p0 =	seq.s32 s5, $0x0;
	s5 =	sld [smem:$0x3FA4]  }
0x2b: {  	s6 =	sld [smem:$0x3FA5]  }
0x2c: {  	s7 =	sld [smem:$0x3FA6]  }
0x2d: {  	s3 =	simm.s32 $0x108;
	s8 =	sld [smem:$0x3FA7]  }
0x2e: {  	s3 =	simm.s32 @!p0 $0x1082;
	s9 =	sld [smem:$0x3FA8]  }
0x2f: {  	lr =	sadd.s32 s0, s3;
	s0 =	sld [smem:$0x3F9F]  }
0x30: {  	s3 =	sld [smem:$0x3FA2]  }
0x31: {  	[smem:$0x3FAB] =	sst s10  }
0x32: {  	s10 =	sld [smem:$0x3FA9];
	_ =	sdelay $0x3  }
0x33: {  	p0 =	seq.s32 s10, $0x1;
	s10 =	sld [smem:$0x3FAB];
	_ =	sdelay $0x3  }
0x34: {  	[smem:$0x3FAB] =	sst s10  }
0x35: {  	s10 =	sld [smem:$0x3FAA];
	_ =	sdelay $0x3  }
0x36: {  	p1 =	seq.s32 s10, $0x1;
	s10 =	sld [smem:$0x3FAB];
	_ =	sdelay $0x3  }
0x37: {  	[smem:$0x3FAB] =	sst s10  }
0x38: {  	s10 =	sld [smem:$0x3FAC]  }
0x39: {  	_ = 	snop;
	(pc) =	sbr.ind lr, $3  }
0x3a: {  	_ = 	snop  }
0x3b: {  	_ = 	snop  }
0x3c: {  	p2 =	seq.s32 s10, $0x1;
	s10 =	sld [smem:$0x3FAB]  }
0x3d: {  	_ =	shalt  }
0x3e: {  	_ =	shalt  }
0x3f: {  	_ =	shalt  }
0x40: {  	_ =	shalt  }
0x41: {  	_ =	shalt  }
0x42: {  	_ =	shalt  }
0x43: {  	_ =	shalt  }
0x44: {  	_ =	shalt  }
0x45: {  	_ =	shalt  }
0x46: {  	_ =	shalt  }
0x47: {  	_ =	shalt  }
0x48: {  	_ =	shalt  }
0x49: {  	_ =	shalt  }
0x4a: {  	_ =	shalt  }
0x4b: {  	_ =	shalt  }
0x4c: {  	_ =	shalt  }
0x4d: {  	_ =	shalt  }
0x4e: {  	_ =	shalt  }
0x4f: {  	_ =	shalt  }
0x50: {  	_ =	shalt  }
0x51: {  	_ =	shalt  }
0x52: {  	_ =	shalt  }
0x53: {  	_ =	shalt  }
0x54: {  	_ =	shalt  }
0x55: {  	_ =	shalt  }
0x56: {  	_ =	shalt  }
0x57: {  	_ =	shalt  }
0x58: {  	_ =	shalt  }
0x59: {  	_ =	shalt  }
0x5a: {  	_ =	shalt  }
0x5b: {  	_ =	shalt  }
0x5c: {  	_ =	shalt  }
0x5d: {  	_ =	shalt  }
0x5e: {  	_ =	shalt  }
0x5f: {  	_ =	shalt  }
0x60: {  	_ =	shalt  }
0x61: {  	_ =	shalt  }
0x62: {  	_ =	shalt  }
0x63: {  	_ =	shalt  }
0x64: {  	_ =	shalt  }
0x65: {  	_ =	shalt  }
0x66: {  	_ =	shalt  }
0x67: {  	_ =	shalt  }
0x68: {  	_ =	shalt  }
0x69: {  	_ =	shalt  }
0x6a: {  	_ =	shalt  }
0x6b: {  	_ =	shalt  }
0x6c: {  	_ =	shalt  }
0x6d: {  	_ =	shalt  }
0x6e: {  	_ =	shalt  }
0x6f: {  	_ =	shalt  }
0x70: {  	_ =	shalt  }
0x71: {  	_ =	shalt  }
0x72: {  	_ =	shalt  }
0x73: {  	_ =	shalt  }
0x74: {  	_ =	shalt  }
0x75: {  	_ =	shalt  }
0x76: {  	_ =	shalt  }
0x77: {  	_ =	shalt  }
0x78: {  	_ =	shalt  }
0x79: {  	_ =	shalt  }
0x7a: {  	_ =	shalt  }
0x7b: {  	_ =	shalt  }
0x7c: {  	_ =	shalt  }
0x7d: {  	_ =	shalt  }
0x7e: {  	_ =	shalt  }
0x7f: {  	_ =	shalt  }
0x80: {  	_ =	shalt  }
0x81: {  	_ =	shalt  }
0x82: {  	_ =	shalt  }
0x83: {  	_ =	shalt  }
0x84: {  	_ =	shalt  }
0x85: {  	_ =	shalt  }
0x86: {  	_ =	shalt  }
0x87: {  	_ =	shalt  }
.Lfunc_end0:
.L_simem_size_0:
called_computation.1_lowered:
.L_overlay_start_0:
0x88: {  	s2 =	sld [smem:$0x3FD9]  }
0x89: {  	s3 =	sld [smem:$0x3FFE];
	_ =	sdelay $0x1  }
0x8a: {  	s1 =	srdreg.scid  }
0x8b: {  	s0 =	sand.u32 $0x1, s1  }
0x8c: {  	s16 =	sshll.u32 s0, $0xA;
	s2 =	sadd.s32 s3, s2  }
0x8d: {  	s2 =	sadd.s32 s2, s16  }
0x8e: {  	[smem:$0x3FB7] =	sst s2  }
0x8f: {  	_ = 	snop  }
0x90: {  	(tm) =	ssettm $0x1  }
0x91: {  	s17 =	sld [smem:$0x3FFB];
	_ =	sdelay $0x3  }
0x92: {  	_ =	strace s17  }
0x93: {  	s2 =	sld [smem:$0x3FFC];
	_ =	sdelay $0x3  }
0x94: {  	_ =	strace s2  }
0x95: {  	s2 =	sld [smem:$0x3FFD];
	_ =	sdelay $0x3  }
0x96: {  	_ =	strace s2  }
0x97: {  	_ =	strace $0x8FFFFFFF  }
0x98: {  	s18 =	sld [smem:$0x3FDB];
	_ =	sdelay $0x1  }
0x99: {  	s19 =	simm.s32 $_scs_section_size  }
0x9a: {  	s4 =	simm.s32 $_size__tile_overlayer_lowered;
	s5 =	simm.s32 $_tile_overlayer_lowered  }
0x9b: {  	s22 =	simm.s32 $0x1BFF;
	s21 =	sshll.u32 s5, $0x1;
	s2 =	sadd.s32 s19, s18  }
0x9c: {  	s6 =	simm.s32 $0x0;
	s20 =	sshll.u32 s4, $0x1;
	s4 =	sadd.s32 s21, s2  }
0x9d: {  	[timem:s6], [sflag:s22] =	dma.local [hbm:s4], s20  }
0x9e: {  	_ =	swait.ge [sflag:s22], s20  }
0x9f: {  	s3 =	ssub.s32 $0x0, s20;
	[sflag:s22] =	ssyncset.done $0x0  }
0xa0: {  	[sflag:s22] =	ssyncadd.s32 s3;
	_ =	sdelay $0x1  }
0xa1: {  	s23 =	simm.s32 $0x1B8B  }
0xa2: {  	_ =	swait.ge [sflag:s23], $0x1  }
0xa3: {  	[sflag:s23] =	ssyncset.done $0x0  }
0xa4: {  	s25 =	simm.s32 $0x1B8E;
	s24 =	sld [smem:$0x3FFE];
	[sflag:s23] =	ssyncadd.s32 $0xFFFFFFFF  }
0xa5: {  	s26 =	simm.s32 $execute0_lowered;
	[smem:$0x3FD2] =	sst s25  }
0xa6: {  	s4 =	sshll.u32 s26, $0x1;
	_ =	strace $0x80000049;
	[dreg:$0x1] =	wrdreg $0xFFFFFFFF  }
0xa7: {  	s28 =	simm.s32 $_size_execute0_lowered;
	s2 =	sadd.s32 s2, s4;
	[dreg:$0x0] =	wrdreg $0x0  }
0xa8: {  	s4 =	sshll.u32 s28, $0x1;
	[dreg:$0x2] =	wrdreg s2  }
0xa9: {  	[dreg:$0x3] =	wrdreg s4  }
0xaa: {  	[dreg:$0x4] =	wrdreg $0xC0  }
0xab: {  	_ =	task [dreg:s6], $0x5FFFF  }
0xac: {  	[dreg:$0x1] =	wrdreg $0xFFFFFFFF  }
0xad: {  	[dreg:$0x0] =	wrdreg $0x60  }
0xae: {  	[dreg:$0x2] =	wrdreg s24  }
0xaf: {  	[dreg:$0x3] =	wrdreg $0x82000  }
0xb0: {  	[dreg:$0x4] =	wrdreg $0x9  }
0xb1: {  	_ =	task.clear_ibuf [dreg:s6], $0x5FFFF;
	_ =	strace $0x90000049  }
0xb2: {  	s29 =	simm.s32 $0x9;
	_ =	strace $0x8000004B  }
0xb3: {  	_ =	swait.ge [sflag:s29], $0x1  }
0xb4: {  	[sflag:s29] =	ssyncadd.s32 $0xFFFFFFFF  }
0xb5: {  	_ =	strace $0x9000004B  }
0xb6: {  	_ =	sfence  }
0xb7: {  	s30 =	sld [smem:$0x0];
	_ =	sdelay $0x2  }
0xb8: {  	s31 =	sshll.u32 s1, $0xD;
	s1 =	sshrl.u32 s1, $0x2  }
0xb9: {  	s3 =	sand.u32 $0x4000, s31;
	s1 =	sadd.s32 s1, s30  }
0xba: {  	s0 =	sor.u32 s3, s0;
	s1 =	sshll.u32 s1, $0x11  }
0xbb: {  	s0 =	sor.u32 s1, s0  }
0xbc: {  	s0 =	sadd.s32 $0x8F2B, s0  }
0xbd: {  	[sflag:s0] =	ssyncadd.remote.s32 $0x1  }
0xbe: {  	_ =	sfence.sel $0xFFFF  }
0xbf: {  	[dreg:$0x0] =	wrdreg $0xFFFFFFFF;
	(pc) =	sbr.abs _section_cstart, $3  }
0xc0: {  	[dreg:$0x1] =	wrdreg $0xFFFFFFFF  }
0xc1: {  	_ =	task.clear_ibuf [dreg:s6], $0x2FFFF;
	_ =	strace $0x9FFFFFFF  }
0xc2: {  	(tm) =	ssettm $0x7FFFFFFF  }
0xc3: {  	_ =	shalt  }
tec
execute0_lowered:
.L_overlay_start_1:
0x0: {  	(tag) =	ssettag $0x1  }
0x1: {  	s5 =	rddreg [dreg:$0x0]  }
0x2: {  	s2 =	rddreg [dreg:$0x1];
	s3 =	simm.s32 $0x0  }
0x3: {  	s0 =	stileid.u32;
	s4 =	srdreg.scid;
	s19 =	simm.s32 $0x180  }
0x4: {  	s20 =	simm.s32 $0x3;
	s28 =	simm.s32 $0x2;
	s6 =	smul.u32 $0x3E80, s0  }
0x5: {  	s29 =	simm.s32 $0x6;
	s30 =	simm.s32 $0x0;
	s11 =	smul.u32 $0x5000, s0  }
0x6: {  	[smem:$0x7FF] =	sst s3;
	s7 =	sand.u32 $0x1, s4;
	s12 =	smul.u32 $0x7D000, s0  }
0x7: {  	s4 =	sadd.s32 $0xC7400, s5;
	s14 =	sadd.s32 $0xB3400, s5;
	s26 =	smul.u32 $0xA00, s0  }
0x8: {  	s13 =	sadd.s32 $0x34000, s5;
	p0 =	sgt.u32 s0, $0x9;
	s8 =	smul.u32 $0x27100, s7  }
0x9: {  	_ =	strace $0x8000004A;
	s9 =	smul.u32 $0x50000, s7;
	s7 =	ssub.s32 $0x2, s7  }
0xa: {  	s10 =	sadd.s32 s6, s5;
	s21 =	sshrl.u32 s7, $0x1;
	s22 =	sshrl.u32 s12, $0x2  }
0xb: {  	s24 =	sshrl.u32 s11, $0x3;
	s6 =	sadd.s32 s6, s8;
	s16 =	ssub.s32 s7, s21  }
0xc: {  	s17 =	sadd.s32 s11, s9;
	s18 =	sadd.s32 s22, s2;
	s7 =	sadd.s32 $0x3E000, s10  }
0xd: {  	s21 =	simm.s32 $0x200;
	s22 =	simm.s32 $0x4;
	s15 =	sadd.s32 s6, s5  }
0xe: {  	s23 =	sshrl.u32 s17, $0x3;
	s6 =	sadd.s32 s13, s24;
	s11 =	smax.u32 s16, $0x1  }
0xf: {  	s25 =	sor.u32 $0x180, s17;
	s31 =	sor.u32 $0x100, s17;
	s13 =	sadd.s32 s26, s13  }
0x10: {  	s17 =	simm.s32 $0x100;
	s24 =	simm.s32 $0x1;
	s26 =	simm.s32 $0x7  }
.Ltmp0:
0x11: {  	s5 =	sadd.s32 s14, s23;
	s9 =	sadd.s32 $0x10, s6;
	(pc) =	sbr.rel .LBB2_1-.Ltmp0, $4  }
0x12: {  	s10 =	sadd.s32 $0x115A00, s15;
	s12 =	sshrl.u32 s25, $0x3;
	s16 =	sshrl.u32 s31, $0x3  }
0x13: {  	s15 =	sshll.u32 @!p0 s0, $0x6;
	s23 =	simm.s32 $0x4200;
	s25 =	simm.s32 $0x5  }
0x14: {  	s8 =	sadd.s32 $0x10, s5;
	s12 =	sadd.s32 s12, s14;
	s14 =	sadd.s32 s16, s14  }
0x15: {  	s15 =	sor.u32 @!p0 $0x1C07, s15;
	s16 =	sshrl.u32 @!p0 s18, $0x3;
	s18 =	simm.s32 $0x80  }
.LBB2_4:
0x16: {  	_ =	swait.ge [sflag:s28], $0x4000  }
0x17: {  	[sflag:s28] =	ssyncset.done $0x0  }
0x18: {  	[sflag:s28] =	ssyncadd.s32 $0xFFFFC000  }
0x19: {  	_ =	swait.ge [sflag:s29], $0x80  }
0x1a: {  	[sflag:s29] =	ssyncset.done $0x0  }
0x1b: {  	[sflag:s29] =	ssyncadd.s32 $0xFFFFFF80  }
0x1c: {  	[spmem:s2] =	stream.indirect.scatter.add.f32 [tilespmem:s23], [sflag:$0x7], $0x80, s19, s18, $0xb8;
	[tilespmem:$0x1BA80] =	vst v63  }
0x1d: {  	_ =	swait.ge [sflag:s26], $0x4000  }
0x1e: {  	s30 =	sadd.s32 $0x1, s30;
	[sflag:s26] =	ssyncset.done $0x0  }
0x1f: {  	p1 =	sne.s32 s30, s11;
	[sflag:s26] =	ssyncadd.s32 $0xFFFFC000  }
.Ltmp1:
0x20: {  	s0 =	simm.s32 @!p0 $0x7;
	[bflag:$0x0] =	sbarrier.arrive $0xFFFF;
	(pc) =	sbr.rel @!p1 .LBB2_5-.Ltmp1, $4  }
0x21: {  	[hbm:s10], [sflag:s15] =	dma.local @!p0 [spmem:s16], $0x3E80  }
0x22: {  	_ =	swait.ge @!p0 [sflag:s0], $0x3E80  }
0x23: {  	[sflag:s0] =	ssyncset.done @!p0 $0x0  }
0x24: {  	[sflag:s0] =	ssyncadd.s32 @!p0 $0xFFFFC180  }
.LBB2_1:
0x25: {  	[spmem:s16], [sflag:s15] =	dma.local @!p0 [hbm:s7], $0x3E80  }
0x26: {  	s31 =	simm.s32 @!p0 $0x7  }
0x27: {  	_ =	swait.ge @!p0 [sflag:s31], $0x3E80  }
0x28: {  	[sflag:s31] =	ssyncset.done @!p0 $0x0  }
0x29: {  	[sflag:s31] =	ssyncadd.s32 @!p0 $0xFFFFC180  }
0x2a: {  	[bflag:$0x0] =	sbarrier.arrive $0xFFFF  }
0x2b: {  	[tilespmem:s3], [sflag:$0x3] =	stream.linear.gather [hbm4b:s5+s3], $0x80, $0x38;
	[tilespmem:$0x1BA80] =	vst v63  }
0x2c: {  	_ = 	snop  }
0x2d: {  	[tilespmem:s17], [sflag:$0x5] =	stream.linear.gather [hbm4b:s6+s3], $0x80, $0x38;
	[tilespmem:$0x1BA80] =	vst v63  }
0x2e: {  	_ = 	snop  }
0x2f: {  	[tilespmem:s18], [sflag:$0x4] =	stream.linear.gather [hbm4b:s8+s3], $0x80, $0x38;
	[tilespmem:$0x1BA80] =	vst v63  }
0x30: {  	_ = 	snop  }
0x31: {  	[tilespmem:s19], [sflag:$0x6] =	stream.linear.gather [hbm4b:s9+s3], $0x80, $0x38;
	[tilespmem:$0x1BA80] =	vst v63  }
0x32: {  	_ =	swait.ge [sflag:s20], $0x80  }
0x33: {  	[sflag:s20] =	ssyncset.done $0x0  }
0x34: {  	[sflag:s20] =	ssyncadd.s32 $0xFFFFFF80  }
0x35: {  	[tilespmem:s21], [sflag:$0x1] =	stream.indirect.gather [hbm4b:s4+s18], $0x80, s3, s18, $0xb8;
	[tilespmem:$0x1BA80] =	vst v63  }
0x36: {  	_ =	swait.ge [sflag:s22], $0x80  }
0x37: {  	[sflag:s22] =	ssyncset.done $0x0  }
0x38: {  	s31 =	simm.s32 $0x0;
	[sflag:s22] =	ssyncadd.s32 $0xFFFFFF80  }
0x39: {  	[tilespmem:s23], [sflag:$0x2] =	stream.indirect.gather [hbm4b:s4+s18], $0x80, s18, s18, $0xb8;
	[tilespmem:$0x1BA80] =	vst v63  }
.LBB2_2:
0x3a: {  	_ =	swait.ge [sflag:s24], $0x4000  }
0x3b: {  	p1 =	seq.s32 s31, $0x9E0;
	[sflag:s24] =	ssyncset.done $0x0  }
0x3c: {  	s0 =	sadd.s32 @!p1 s31, s14;
	s1 =	simm.s32 @!p1 $0x0;
	[sflag:s24] =	ssyncadd.s32 $0xFFFFC000  }
0x3d: {  	[tilespmem:s1], [sflag:$0x3] =	stream.linear.gather @!p1 [hbm4b:s0+s1], $0x80, $0x38;
	[tilespmem:$0x1BA80] =	vst v63  }
0x3e: {  	_ =	swait.ge [sflag:s25], $0x80  }
0x3f: {  	[sflag:s25] =	ssyncset.done $0x0  }
.Ltmp2:
0x40: {  	[sflag:s25] =	ssyncadd.s32 $0xFFFFFF80;
	(pc) =	sbr.rel @p1 .LBB2_4-.Ltmp2, $4  }
0x41: {  	[spmem:s2] =	stream.indirect.scatter.add.f32 [tilespmem:s21], [sflag:$0x7], $0x80, s17, s18, $0xb8;
	[tilespmem:$0x1BA80] =	vst v63  }
0x42: {  	_ =	swait.ge [sflag:s26], $0x4000  }
0x43: {  	[sflag:s26] =	ssyncset.done $0x0  }
0x44: {  	[sflag:s26] =	ssyncadd.s32 $0xFFFFC000  }
0x45: {  	s0 =	sadd.s32 s31, s13  }
0x46: {  	s1 =	sadd.s32 $0x20, s0  }
0x47: {  	[tilespmem:s17], [sflag:$0x5] =	stream.linear.gather [hbm4b:s1+s3], $0x80, $0x38;
	[tilespmem:$0x1BA80] =	vst v63  }
0x48: {  	_ =	swait.ge [sflag:s20], $0x80  }
0x49: {  	[sflag:s20] =	ssyncset.done $0x0  }
0x4a: {  	[sflag:s20] =	ssyncadd.s32 $0xFFFFFF80  }
0x4b: {  	[tilespmem:s21], [sflag:$0x1] =	stream.indirect.gather [hbm4b:s4+s18], $0x80, s3, s18, $0xb8;
	[tilespmem:$0x1BA80] =	vst v63  }
0x4c: {  	_ =	swait.ge [sflag:s28], $0x4000  }
0x4d: {  	[sflag:s28] =	ssyncset.done $0x0  }
0x4e: {  	s1 =	sadd.s32 s31, s12;
	[sflag:s28] =	ssyncadd.s32 $0xFFFFC000  }
0x4f: {  	[tilespmem:s18], [sflag:$0x4] =	stream.linear.gather [hbm4b:s1+s3], $0x80, $0x38;
	[tilespmem:$0x1BA80] =	vst v63  }
0x50: {  	_ =	swait.ge [sflag:s29], $0x80  }
0x51: {  	[sflag:s29] =	ssyncset.done $0x0  }
0x52: {  	[sflag:s29] =	ssyncadd.s32 $0xFFFFFF80  }
0x53: {  	[spmem:s2] =	stream.indirect.scatter.add.f32 [tilespmem:s23], [sflag:$0x7], $0x80, s19, s18, $0xb8;
	[tilespmem:$0x1BA80] =	vst v63  }
0x54: {  	_ =	swait.ge [sflag:s26], $0x4000  }
0x55: {  	[sflag:s26] =	ssyncset.done $0x0  }
0x56: {  	s0 =	sadd.s32 $0x30, s0;
	[sflag:s26] =	ssyncadd.s32 $0xFFFFC000  }
0x57: {  	[tilespmem:s19], [sflag:$0x6] =	stream.linear.gather [hbm4b:s0+s3], $0x80, $0x38;
	[tilespmem:$0x1BA80] =	vst v63  }
.Ltmp3:
0x58: {  	_ = 	snop;
	(pc) =	sbr.rel .LBB2_2-.Ltmp3, $4  }
0x59: {  	_ =	swait.ge [sflag:s22], $0x80  }
0x5a: {  	[sflag:s22] =	ssyncset.done $0x0  }
0x5b: {  	s31 =	sadd.s32 $0x20, s31;
	[sflag:s22] =	ssyncadd.s32 $0xFFFFFF80  }
0x5c: {  	[tilespmem:s23], [sflag:$0x2] =	stream.indirect.gather [hbm4b:s4+s18], $0x80, s18, s18, $0xb8;
	[tilespmem:$0x1BA80] =	vst v63  }
.LBB2_5:
0x5d: {  	_ =	sfence.sel $0x180000  }
0x5e: {  	[bflag:$0x0] =	sbarrier.arrive $0xFFFF  }
0x5f: {  	_ =	strace $0x9000004A  }
0x60: {  	s0 =	stileid.u32;
	[bflag:$0x2] =	sbarrier.arrive $0xFFFF  }
0x61: {  	p0 =	sne.s32 s0, $0x0;
	s0 =	rddreg [dreg:$0x2]  }
0x62: {  	s0 =	sadd.s32 @!p0 $0x100000, s0  }
0x63: {  	[sflag:s0] =	ssyncadd.tile.s32 @!p0 $0x1;
	_ =	shalt  }
.Lfunc_end2:
_tile_overlayer_lowered:
.L_overlay_start_2:
0x64: {  	(tag) =	ssettag $0x2  }
0x65: {  	s0 =	rddreg [dreg:$0x0];
	s2 =	stileid.u32  }
0x66: {  	s1 =	rddreg [dreg:$0x1];
	p0 =	sne.s32 s2, $0x0  }
0x67: {  	s3 =	rddreg [dreg:$0x2];
	[bflag:$0x3] =	sbarrier.arrive $0xFFFF;
	s2 =	simm.s32 @!p0 $0x1C07  }
0x68: {  	[timem:s3], [sflag:s2] =	dma.local @!p0 [hbm:s0], s1  }
0x69: {  	s0 =	simm.s32 @!p0 $0x7  }
0x6a: {  	_ =	swait.ge @!p0 [sflag:s0], s1  }
0x6b: {  	s1 =	ssub.s32 @!p0 $0x0, s1;
	[sflag:s0] =	ssyncset.done @!p0 $0x0  }
0x6c: {  	[sflag:s0] =	ssyncadd.s32 @!p0 s1  }
0x6d: {  	[bflag:$0x3] =	sbarrier.arrive $0xFFFF  }
0x6e: {  	_ =	shalt  }

// kernel: kernel.14.cloned.1.call-start
scs
__scs_entry_jumppad:
0x0: {  	(pc) =	sbr.rel $0x88, $3  }
0x1: {  	(tag) =	ssettag $0x0;
	lr =	simm.s32 $0x1  }
0x2: {  	[smem:$0x3F90] =	sst lr;
	_ =	strace $0xD0000000  }
0x3: {  	_ = 	snop  }
0x4: {  	_ = 	snop  }
0x5: {  	_ = 	snop  }
0x6: {  	_ = 	snop  }
0x7: {  	_ = 	snop  }
__scs_overlays_trampoline_lowered:
0x8: {  	[smem:$0x3F9F] =	sst s0  }
0x9: {  	[smem:$0x3FA0] =	sst s1  }
0xa: {  	[smem:$0x3FA1] =	sst s2  }
0xb: {  	[smem:$0x3FA2] =	sst s3  }
0xc: {  	[smem:$0x3FA3] =	sst s4  }
0xd: {  	[smem:$0x3FA4] =	sst s5  }
0xe: {  	[smem:$0x3FA5] =	sst s6  }
0xf: {  	[smem:$0x3FA6] =	sst s7  }
0x10: {  	[smem:$0x3FA7] =	sst s8  }
0x11: {  	[smem:$0x3FA8] =	sst s9;
	s0 =	simm.s32 @!p0 $0x0  }
0x12: {  	s1 =	sld [smem:$0x3F8E];
	s0 =	simm.s32 @p0 $0x1  }
0x13: {  	[smem:$0x3FA9] =	sst s0;
	s0 =	simm.s32 @!p1 $0x0  }
0x14: {  	s2 =	sld [smem:$0x3F8D];
	s0 =	simm.s32 @p1 $0x1  }
0x15: {  	[smem:$0x3FAA] =	sst s0;
	s0 =	simm.s32 @!p2 $0x0  }
0x16: {  	s3 =	sld [smem:$0x3FDB];
	s0 =	simm.s32 @p2 $0x1  }
0x17: {  	s4 =	simm.s32 $0x1BF5;
	[smem:$0x3FAC] =	sst s0  }
0x18: {  	s0 =	sld [smem:$0x3F8F];
	_ =	swait.ge [sflag:s4], $0x0  }
0x19: {  	s7 =	sld [smem:$0x3F90]  }
0x1a: {  	s8 =	sadd.s32 $0xFFFFE003, lr  }
0x1b: {  	s9 =	sadd.s32 $0xFFFFFEF7, lr;
	s5 =	simm.s32 $0xFFFFFFFF;
	p2 =	slt.u32 s8, $0xFFFFF086  }
0x1c: {  	p1 =	slt.u32 s9, $0xF7A;
	s5 =	simm.s32 @!p2 $0x0  }
0x1d: {  	s5 =	simm.s32 @p1 $0x1;
	p0 =	seq.s32 s7, s2  }
0x1e: {  	s7 =	smul.u32 @!p0 $0xF7A, s2;
	p2 =	seq.s32 @!p0 s5, $0x0  }
0x1f: {  	s9 =	smul.u32 $0xF7A, s1;
	s8 =	simm.s32 @!p0 $0x1BF5;
	p2 =	por !p2, p0  }
0x20: {  	[sflag:s8] =	ssyncset.s32 @!p0 $0xFFFFF086;
	s6 =	sadd.s32 @!p0 s3, s7;
	s7 =	simm.s32 @!p0 $0x108  }
0x21: {  	s3 =	sadd.s32 s3, s9;
	s6 =	sadd.s32 @!p0 $0x88, s6;
	s7 =	simm.s32 @p2 $0x1082  }
0x22: {  	[simem:s7], [sflag:s8] =	dma.local @!p0 [hbm:s6], $0xF7A  }
0x23: {  	s9 =	sor.u32 $0xD0000000, s2;
	s6 =	simm.s32 $0x108;
	_ =	swait.ge @!p0 [sflag:s8], $0x0  }
0x24: {  	s3 =	sadd.s32 $0x88, s3;
	s6 =	simm.s32 @!p1 $0x1082;
	[sflag:s4] =	ssyncset.s32 $0xFFFFF086  }
0x25: {  	[simem:s6], [sflag:s4] =	dma.local [hbm:s3], $0xF7A  }
0x26: {  	[smem:$0x3F90] =	sst s1;
	(tag) =	ssettag s2;
	_ =	strace s9  }
0x27: {  	s1 =	sld [smem:$0x3FA0]  }
0x28: {  	s2 =	sld [smem:$0x3FA1]  }
0x29: {  	s4 =	sld [smem:$0x3FA3]  }
0x2a: {  	p0 =	seq.s32 s5, $0x0;
	s5 =	sld [smem:$0x3FA4]  }
0x2b: {  	s6 =	sld [smem:$0x3FA5]  }
0x2c: {  	s7 =	sld [smem:$0x3FA6]  }
0x2d: {  	s3 =	simm.s32 $0x108;
	s8 =	sld [smem:$0x3FA7]  }
0x2e: {  	s3 =	simm.s32 @!p0 $0x1082;
	s9 =	sld [smem:$0x3FA8]  }
0x2f: {  	lr =	sadd.s32 s0, s3;
	s0 =	sld [smem:$0x3F9F]  }
0x30: {  	s3 =	sld [smem:$0x3FA2]  }
0x31: {  	[smem:$0x3FAB] =	sst s10  }
0x32: {  	s10 =	sld [smem:$0x3FA9];
	_ =	sdelay $0x3  }
0x33: {  	p0 =	seq.s32 s10, $0x1;
	s10 =	sld [smem:$0x3FAB];
	_ =	sdelay $0x3  }
0x34: {  	[smem:$0x3FAB] =	sst s10  }
0x35: {  	s10 =	sld [smem:$0x3FAA];
	_ =	sdelay $0x3  }
0x36: {  	p1 =	seq.s32 s10, $0x1;
	s10 =	sld [smem:$0x3FAB];
	_ =	sdelay $0x3  }
0x37: {  	[smem:$0x3FAB] =	sst s10  }
0x38: {  	s10 =	sld [smem:$0x3FAC]  }
0x39: {  	_ = 	snop;
	(pc) =	sbr.ind lr, $3  }
0x3a: {  	_ = 	snop  }
0x3b: {  	_ = 	snop  }
0x3c: {  	p2 =	seq.s32 s10, $0x1;
	s10 =	sld [smem:$0x3FAB]  }
0x3d: {  	_ =	shalt  }
0x3e: {  	_ =	shalt  }
0x3f: {  	_ =	shalt  }
0x40: {  	_ =	shalt  }
0x41: {  	_ =	shalt  }
0x42: {  	_ =	shalt  }
0x43: {  	_ =	shalt  }
0x44: {  	_ =	shalt  }
0x45: {  	_ =	shalt  }
0x46: {  	_ =	shalt  }
0x47: {  	_ =	shalt  }
0x48: {  	_ =	shalt  }
0x49: {  	_ =	shalt  }
0x4a: {  	_ =	shalt  }
0x4b: {  	_ =	shalt  }
0x4c: {  	_ =	shalt  }
0x4d: {  	_ =	shalt  }
0x4e: {  	_ =	shalt  }
0x4f: {  	_ =	shalt  }
0x50: {  	_ =	shalt  }
0x51: {  	_ =	shalt  }
0x52: {  	_ =	shalt  }
0x53: {  	_ =	shalt  }
0x54: {  	_ =	shalt  }
0x55: {  	_ =	shalt  }
0x56: {  	_ =	shalt  }
0x57: {  	_ =	shalt  }
0x58: {  	_ =	shalt  }
0x59: {  	_ =	shalt  }
0x5a: {  	_ =	shalt  }
0x5b: {  	_ =	shalt  }
0x5c: {  	_ =	shalt  }
0x5d: {  	_ =	shalt  }
0x5e: {  	_ =	shalt  }
0x5f: {  	_ =	shalt  }
0x60: {  	_ =	shalt  }
0x61: {  	_ =	shalt  }
0x62: {  	_ =	shalt  }
0x63: {  	_ =	shalt  }
0x64: {  	_ =	shalt  }
0x65: {  	_ =	shalt  }
0x66: {  	_ =	shalt  }
0x67: {  	_ =	shalt  }
0x68: {  	_ =	shalt  }
0x69: {  	_ =	shalt  }
0x6a: {  	_ =	shalt  }
0x6b: {  	_ =	shalt  }
0x6c: {  	_ =	shalt  }
0x6d: {  	_ =	shalt  }
0x6e: {  	_ =	shalt  }
0x6f: {  	_ =	shalt  }
0x70: {  	_ =	shalt  }
0x71: {  	_ =	shalt  }
0x72: {  	_ =	shalt  }
0x73: {  	_ =	shalt  }
0x74: {  	_ =	shalt  }
0x75: {  	_ =	shalt  }
0x76: {  	_ =	shalt  }
0x77: {  	_ =	shalt  }
0x78: {  	_ =	shalt  }
0x79: {  	_ =	shalt  }
0x7a: {  	_ =	shalt  }
0x7b: {  	_ =	shalt  }
0x7c: {  	_ =	shalt  }
0x7d: {  	_ =	shalt  }
0x7e: {  	_ =	shalt  }
0x7f: {  	_ =	shalt  }
0x80: {  	_ =	shalt  }
0x81: {  	_ =	shalt  }
0x82: {  	_ =	shalt  }
0x83: {  	_ =	shalt  }
0x84: {  	_ =	shalt  }
0x85: {  	_ =	shalt  }
0x86: {  	_ =	shalt  }
0x87: {  	_ =	shalt  }
.Lfunc_end0:
.L_simem_size_0:
called_computation.2_lowered:
.L_overlay_start_0:
0x88: {  	s2 =	sld [smem:$0x3FD9]  }
0x89: {  	s3 =	sld [smem:$0x3FFE];
	_ =	sdelay $0x1  }
0x8a: {  	s1 =	srdreg.scid  }
0x8b: {  	s0 =	sand.u32 $0x1, s1  }
0x8c: {  	s17 =	sshll.u32 s0, $0xA;
	s2 =	sadd.s32 s3, s2  }
0x8d: {  	s2 =	sadd.s32 s2, s17  }
0x8e: {  	[smem:$0x3FB7] =	sst s2  }
0x8f: {  	_ = 	snop  }
0x90: {  	s2 =	sld [smem:$0x3FD0];
	(tm) =	ssettm $0x1  }
0x91: {  	s18 =	sld [smem:$0x3FFB];
	_ =	sdelay $0x3  }
0x92: {  	_ =	strace s18  }
0x93: {  	s3 =	sld [smem:$0x3FFC];
	_ =	sdelay $0x3  }
0x94: {  	_ =	strace s3  }
0x95: {  	s3 =	sld [smem:$0x3FFD];
	_ =	sdelay $0x3  }
0x96: {  	_ =	strace s3  }
0x97: {  	_ =	strace $0x8FFFFFFF  }
0x98: {  	s19 =	sld [smem:$0x3FDB];
	_ =	sdelay $0x1  }
0x99: {  	s4 =	simm.s32 $_scs_section_size  }
0x9a: {  	s5 =	simm.s32 $_size__tile_overlayer_lowered;
	s6 =	simm.s32 $_tile_overlayer_lowered  }
0x9b: {  	s22 =	simm.s32 $0x1BFF;
	s21 =	sshll.u32 s6, $0x1;
	s3 =	sadd.s32 s4, s19  }
0x9c: {  	s7 =	simm.s32 $0x0;
	s20 =	sshll.u32 s5, $0x1;
	s5 =	sadd.s32 s21, s3  }
0x9d: {  	[timem:s7], [sflag:s22] =	dma.local [hbm:s5], s20  }
0x9e: {  	_ =	swait.ge [sflag:s22], s20  }
0x9f: {  	s4 =	ssub.s32 $0x0, s20;
	[sflag:s22] =	ssyncset.done $0x0  }
0xa0: {  	[sflag:s22] =	ssyncadd.s32 s4;
	_ =	sdelay $0x1  }
0xa1: {  	s23 =	simm.s32 $0x1B8B  }
0xa2: {  	_ =	swait.ge [sflag:s23], $0x1  }
0xa3: {  	[sflag:s23] =	ssyncset.done $0x0  }
0xa4: {  	s25 =	simm.s32 $0x1B8E;
	s24 =	sld [smem:$0x3FFE];
	[sflag:s23] =	ssyncadd.s32 $0xFFFFFFFF  }
0xa5: {  	s26 =	simm.s32 $execute0_lowered;
	[smem:$0x3FD2] =	sst s25  }
0xa6: {  	s5 =	sshll.u32 s26, $0x1;
	_ =	strace $0x8000004C;
	[dreg:$0x1] =	wrdreg $0xFFFFFFFF  }
0xa7: {  	s28 =	simm.s32 $_size_execute0_lowered;
	s3 =	sadd.s32 s3, s5;
	[dreg:$0x0] =	wrdreg $0x0  }
0xa8: {  	s5 =	sshll.u32 s28, $0x1;
	[dreg:$0x2] =	wrdreg s3  }
0xa9: {  	[dreg:$0x3] =	wrdreg s5  }
0xaa: {  	[dreg:$0x4] =	wrdreg $0xC0  }
0xab: {  	_ =	task [dreg:s7], $0x5FFFF  }
0xac: {  	[dreg:$0x1] =	wrdreg $0xFFFFFFFF  }
0xad: {  	[dreg:$0x0] =	wrdreg $0x60  }
0xae: {  	[dreg:$0x2] =	wrdreg s24  }
0xaf: {  	[dreg:$0x3] =	wrdreg s2  }
0xb0: {  	[dreg:$0x4] =	wrdreg $0x9  }
0xb1: {  	_ =	task.clear_ibuf [dreg:s7], $0x5FFFF;
	_ =	strace $0x9000004C  }
0xb2: {  	s29 =	simm.s32 $0x9;
	_ =	strace $0x8000004E  }
0xb3: {  	_ =	swait.ge [sflag:s29], $0x1  }
0xb4: {  	[sflag:s29] =	ssyncadd.s32 $0xFFFFFFFF  }
0xb5: {  	_ =	strace $0x9000004E  }
0xb6: {  	_ =	sfence  }
0xb7: {  	s30 =	sld [smem:$0x0];
	_ =	sdelay $0x2  }
0xb8: {  	s31 =	sshll.u32 s1, $0xD;
	s1 =	sshrl.u32 s1, $0x2  }
0xb9: {  	s3 =	sand.u32 $0x4000, s31;
	s1 =	sadd.s32 s1, s30  }
0xba: {  	s0 =	sor.u32 s3, s0;
	s1 =	sshll.u32 s1, $0x11  }
0xbb: {  	s0 =	sor.u32 s1, s0  }
0xbc: {  	s0 =	sadd.s32 $0x8F2B, s0  }
0xbd: {  	[sflag:s0] =	ssyncadd.remote.s32 $0x1  }
0xbe: {  	_ =	sfence.sel $0xFFFF  }
0xbf: {  	[dreg:$0x0] =	wrdreg $0xFFFFFFFF;
	(pc) =	sbr.abs _section_cstart, $3  }
0xc0: {  	[dreg:$0x1] =	wrdreg $0xFFFFFFFF  }
0xc1: {  	_ =	task.clear_ibuf [dreg:s7], $0x2FFFF;
	_ =	strace $0x9FFFFFFF  }
0xc2: {  	(tm) =	ssettm $0x7FFFFFFF  }
0xc3: {  	_ =	shalt  }
tec
execute0_lowered:
.L_overlay_start_1:
0x0: {  	(tag) =	ssettag $0x1  }
0x1: {  	s0 =	srdreg.scid;
	s5 =	rddreg [dreg:$0x0]  }
0x2: {  	s7 =	rddreg [dreg:$0x1];
	s1 =	stileid.u32;
	s6 =	sand.u32 $0x1, s0  }
0x3: {  	s2 =	simm.s32 $0x0;
	s0 =	rddreg [dreg:$0x2];
	s3 =	sshll.u32 s6, $0x4  }
0x4: {  	v0 =	vimm.f32 $-Inf;
	v1 =	vlaneseq.u32;
	s11 =	simm.s32 $0x0;
	[smem:$0x7FF] =	sst s2;
	s8 =	sor.u32 s1, s3  }
0x5: {  	s4 =	sadd.s32 $0x2A00, s5;
	v2 =	vor.u32 $0x10, v1;
	v3 =	vor.u32 $0x20, v1;
	v4 =	vor.u32 $0x30, v1;
	s6 =	ssub.s32 $0x2, s6;
	s3 =	smul.u32 $0x140, s8  }
0x6: {  	v5 =	vor.u32 $0x40, v1;
	v6 =	vor.u32 $0x50, v1;
	v7 =	vor.u32 $0x60, v1;
	_ =	strace $0x8000004D;
	s9 =	sshrl.u32 s6, $0x1;
	s8 =	sshll.u32 s8, $0xD  }
0x7: {  	v8 =	vor.u32 $0x70, v1;
	v9 =	vor.u32 $0x80, v1;
	v10 =	vor.u32 $0x90, v1;
	s9 =	ssub.s32 s6, s9;
	s8 =	sadd.s32 s8, s5;
	s10 =	sshrl.u32 s3, $0x3  }
0x8: {  	v11 =	vor.u32 $0xA0, v1;
	v12 =	vor.u32 $0xB0, v1;
	v13 =	vor.u32 $0xC0, v1;
	s6 =	sadd.s32 $0x52A00, s8;
	s8 =	simm.s32 $0x1;
	s5 =	sadd.s32 s7, s10  }
0x9: {  	v14 =	vor.u32 $0xD0, v1;
	v15 =	vor.u32 $0xE0, v1;
	v16 =	vor.u32 $0xF0, v1;
	s7 =	smax.u32 s9, $0x1;
	s9 =	simm.s32 $0x180;
	s10 =	simm.s32 $0x4180  }
.LBB2_1:
0xa: {  	s12 =	simm.s32 $0x40;
	s13 =	simm.s32 $0x0  }
.LBB2_2:
0xb: {  	p0 =	sne.s32 s12, $0x3FFC0;
	[tilespmem:s13+$0x4180] =	vst v0;
	s13 =	smov.u32 s12;
	s12 =	sadd.s32 $0x40, s12  }
.Ltmp0:
0xc: {  	(pc) =	sbr.rel @p0 .LBB2_2-.Ltmp0, $2  }
0xd: {  	_ =	sdelay $0x2  }
0xe: {  	s13 =	sshra.s32 s13, $0x2  }
0xf: {  	[tilespmem:s13+$0x4180] =	vst v0;
	s12 =	simm.s32 $0x0  }
0x10: {  	[tilespmem:s12], [sflag:$0x1] =	stream.linear.gather [hbm4b:s5+s12], $0x140, $0x38;
	[tilespmem:$0x14180] =	vst v63  }
0x11: {  	_ =	swait.ge [sflag:s8], $0x140  }
0x12: {  	[sflag:s8] =	ssyncset.done $0x0  }
0x13: {  	s13 =	simm.s32 $0x0;
	s14 =	simm.s32 $0x0;
	[sflag:s8] =	ssyncadd.s32 $0xFFFFFEC0  }
.LBB2_4:
0x14: {  	s15 =	sshll.u32 s14, $0x6  }
0x15: {  	s15 =	sadd.s32 s3, s15  }
0x16: {  	s16 =	sadd.s32 $0x0, s13;
	s15 =	sshll.u32 s15, $0x5  }
0x17: {  	v17 =	vmov s16;
	s15 =	sadd.s32 s4, s15  }
0x18: {  	[tilespmem:s9], [sflag:$0x1] =	stream.linear.gather [hbm4b:s15+s12], $0x4000, $0x38;
	[tilespmem:$0x14180] =	vst v63  }
0x19: {  	_ =	swait.ge [sflag:s8], $0x4000  }
0x1a: {  	[sflag:s8] =	ssyncset.done $0x0  }
0x1b: {  	[sflag:s8] =	ssyncadd.s32 $0xFFFFC000  }
0x1c: {  	v17 =	vld.idx.msk [tilespmem:v17+s2+$0x0], $0xffff;
	_ =	sdelay $0x4  }
0x1d: {  	v17 =	vshll.u32 v17, $0x8  }
0x1e: {  	v18 =	vor.u32 v1, v17;
	_ =	sdelay $0x2  }
0x1f: {  	s15 =	simm.s32 $0x200  }
0x20: {  	v20 =	vld [tilespmem:s15+$0xFFFFFF80]  }
0x21: {  	v19 =	vld.idx.msk [tilespmem:v18+s10+$0x0], $0xffff;
	_ =	sdelay $0x1  }
0x22: {  	v21 =	vor.u32 v2, v17;
	_ =	sdelay $0x2  }
0x23: {  	v19 =	vmax.f32 v19, v20  }
0x24: {  	[tilespmem:v18+s10+$0x0] =	vst.idx.msk $0xffff, v19  }
0x25: {  	v18 =	vld.idx.msk [tilespmem:v21+s10+$0x0], $0xffff  }
0x26: {  	v19 =	vld [tilespmem:s15+$0xFFFFFF90];
	_ =	sdelay $0x1  }
0x27: {  	v20 =	vor.u32 v3, v17;
	_ =	sdelay $0x2  }
0x28: {  	v18 =	vmax.f32 v18, v19  }
0x29: {  	[tilespmem:v21+s10+$0x0] =	vst.idx.msk $0xffff, v18  }
0x2a: {  	v18 =	vld.idx.msk [tilespmem:v20+s10+$0x0], $0xffff  }
0x2b: {  	v19 =	vld [tilespmem:s15+$0xFFFFFFA0];
	_ =	sdelay $0x1  }
0x2c: {  	v58 =	vor.u32 v4, v17;
	_ =	sdelay $0x2  }
0x2d: {  	v18 =	vmax.f32 v18, v19  }
0x2e: {  	[tilespmem:v20+s10+$0x0] =	vst.idx.msk $0xffff, v18  }
0x2f: {  	v18 =	vld.idx.msk [tilespmem:v58+s10+$0x0], $0xffff  }
0x30: {  	v19 =	vld [tilespmem:s15+$0xFFFFFFB0];
	_ =	sdelay $0x1  }
0x31: {  	v20 =	vor.u32 v5, v17;
	_ =	sdelay $0x2  }
0x32: {  	v18 =	vmax.f32 v18, v19  }
0x33: {  	[tilespmem:v58+s10+$0x0] =	vst.idx.msk $0xffff, v18  }
0x34: {  	v18 =	vld.idx.msk [tilespmem:v20+s10+$0x0], $0xffff  }
0x35: {  	v19 =	vld [tilespmem:s15+$0xFFFFFFC0];
	_ =	sdelay $0x1  }
0x36: {  	v59 =	vor.u32 v6, v17;
	_ =	sdelay $0x2  }
0x37: {  	v18 =	vmax.f32 v18, v19  }
0x38: {  	[tilespmem:v20+s10+$0x0] =	vst.idx.msk $0xffff, v18  }
0x39: {  	v18 =	vld.idx.msk [tilespmem:v59+s10+$0x0], $0xffff  }
0x3a: {  	v19 =	vld [tilespmem:s15+$0xFFFFFFD0];
	_ =	sdelay $0x1  }
0x3b: {  	v20 =	vor.u32 v7, v17;
	_ =	sdelay $0x2  }
0x3c: {  	v18 =	vmax.f32 v18, v19  }
0x3d: {  	[tilespmem:v59+s10+$0x0] =	vst.idx.msk $0xffff, v18  }
0x3e: {  	v18 =	vld.idx.msk [tilespmem:v20+s10+$0x0], $0xffff  }
0x3f: {  	v19 =	vld [tilespmem:s15+$0xFFFFFFE0];
	_ =	sdelay $0x1  }
0x40: {  	v60 =	vor.u32 v8, v17;
	_ =	sdelay $0x2  }
0x41: {  	v18 =	vmax.f32 v18, v19  }
0x42: {  	[tilespmem:v20+s10+$0x0] =	vst.idx.msk $0xffff, v18  }
0x43: {  	v18 =	vld.idx.msk [tilespmem:v60+s10+$0x0], $0xffff  }
0x44: {  	v19 =	vld [tilespmem:s15+$0xFFFFFFF0];
	_ =	sdelay $0x1  }
0x45: {  	v20 =	vor.u32 v9, v17;
	_ =	sdelay $0x2  }
0x46: {  	v18 =	vmax.f32 v18, v19  }
0x47: {  	[tilespmem:v60+s10+$0x0] =	vst.idx.msk $0xffff, v18  }
0x48: {  	v18 =	vld.idx.msk [tilespmem:v20+s10+$0x0], $0xffff  }
0x49: {  	v19 =	vld [tilespmem:s15+$0x0];
	_ =	sdelay $0x1  }
0x4a: {  	v61 =	vor.u32 v10, v17;
	_ =	sdelay $0x2  }
0x4b: {  	v18 =	vmax.f32 v18, v19  }
0x4c: {  	[tilespmem:v20+s10+$0x0] =	vst.idx.msk $0xffff, v18  }
0x4d: {  	v18 =	vld.idx.msk [tilespmem:v61+s10+$0x0], $0xffff  }
0x4e: {  	v19 =	vld [tilespmem:s15+$0x10];
	_ =	sdelay $0x1  }
0x4f: {  	v20 =	vor.u32 v11, v17;
	_ =	sdelay $0x2  }
0x50: {  	v18 =	vmax.f32 v18, v19  }
0x51: {  	[tilespmem:v61+s10+$0x0] =	vst.idx.msk $0xffff, v18  }
0x52: {  	v18 =	vld.idx.msk [tilespmem:v20+s10+$0x0], $0xffff  }
0x53: {  	v19 =	vld [tilespmem:s15+$0x20];
	_ =	sdelay $0x1  }
0x54: {  	v62 =	vor.u32 v12, v17;
	_ =	sdelay $0x2  }
0x55: {  	v18 =	vmax.f32 v18, v19  }
0x56: {  	[tilespmem:v20+s10+$0x0] =	vst.idx.msk $0xffff, v18  }
0x57: {  	v18 =	vld.idx.msk [tilespmem:v62+s10+$0x0], $0xffff  }
0x58: {  	v19 =	vld [tilespmem:s15+$0x30];
	_ =	sdelay $0x1  }
0x59: {  	v20 =	vor.u32 v13, v17;
	_ =	sdelay $0x2  }
0x5a: {  	v18 =	vmax.f32 v18, v19  }
0x5b: {  	[tilespmem:v62+s10+$0x0] =	vst.idx.msk $0xffff, v18  }
0x5c: {  	v18 =	vld.idx.msk [tilespmem:v20+s10+$0x0], $0xffff  }
0x5d: {  	v19 =	vld [tilespmem:s15+$0x40];
	_ =	sdelay $0x1  }
0x5e: {  	v63 =	vor.u32 v14, v17;
	_ =	sdelay $0x2  }
0x5f: {  	v18 =	vmax.f32 v18, v19  }
0x60: {  	[tilespmem:v20+s10+$0x0] =	vst.idx.msk $0xffff, v18  }
0x61: {  	v18 =	vld.idx.msk [tilespmem:v63+s10+$0x0], $0xffff  }
0x62: {  	v19 =	vld [tilespmem:s15+$0x50];
	_ =	sdelay $0x1  }
0x63: {  	v20 =	vor.u32 v15, v17;
	_ =	sdelay $0x2  }
0x64: {  	v18 =	vmax.f32 v18, v19  }
0x65: {  	[tilespmem:v63+s10+$0x0] =	vst.idx.msk $0xffff, v18  }
0x66: {  	v18 =	vld.idx.msk [tilespmem:v20+s10+$0x0], $0xffff  }
0x67: {  	v19 =	vld [tilespmem:s15+$0x60];
	_ =	sdelay $0x1  }
0x68: {  	v17 =	vor.u32 v16, v17;
	_ =	sdelay $0x2  }
0x69: {  	v18 =	vmax.f32 v18, v19  }
0x6a: {  	[tilespmem:v20+s10+$0x0] =	vst.idx.msk $0xffff, v18  }
0x6b: {  	v19 =	vld.idx.msk [tilespmem:v17+s10+$0x0], $0xffff  }
0x6c: {  	v20 =	vld [tilespmem:s15+$0x70];
	_ =	sdelay $0x1  }
0x6d: {  	s17 =	sadd.s32 $0x1, s13  }
0x6e: {  	v18 =	vmov s17;
	_ =	sdelay $0x1  }
0x6f: {  	s16 =	simm.s32 $0x2;
	v19 =	vmax.f32 v19, v20  }
.LBB2_5:
0x70: {  	p0 =	sne.s32 s16, $0x3F  }
0x71: {  	[tilespmem:v17+s10+$0x0] =	vst.idx.msk $0xffff, v19;
	s15 =	sadd.s32 $0x100, s15;
	s17 =	smov.u32 s16;
	s16 =	sadd.s32 $0x1, s16  }
0x72: {  	v17 =	vld.idx.msk [tilespmem:v18+s2+$0x0], $0xffff;
	_ =	sdelay $0x5  }
0x73: {  	v17 =	vshll.u32 v17, $0x8  }
0x74: {  	v18 =	vor.u32 v1, v17;
	_ =	sdelay $0x4  }
0x75: {  	v19 =	vld.idx.msk [tilespmem:v18+s10+$0x0], $0xffff  }
0x76: {  	v20 =	vld [tilespmem:s15+$0xFFFFFF80];
	_ =	sdelay $0x1  }
0x77: {  	v21 =	vor.u32 v2, v17;
	_ =	sdelay $0x2  }
0x78: {  	v19 =	vmax.f32 v19, v20  }
0x79: {  	[tilespmem:v18+s10+$0x0] =	vst.idx.msk $0xffff, v19  }
0x7a: {  	v18 =	vld.idx.msk [tilespmem:v21+s10+$0x0], $0xffff  }
0x7b: {  	v19 =	vld [tilespmem:s15+$0xFFFFFF90];
	_ =	sdelay $0x1  }
0x7c: {  	v20 =	vor.u32 v3, v17;
	_ =	sdelay $0x2  }
0x7d: {  	v18 =	vmax.f32 v18, v19  }
0x7e: {  	[tilespmem:v21+s10+$0x0] =	vst.idx.msk $0xffff, v18  }
0x7f: {  	v18 =	vld.idx.msk [tilespmem:v20+s10+$0x0], $0xffff  }
0x80: {  	v19 =	vld [tilespmem:s15+$0xFFFFFFA0];
	_ =	sdelay $0x1  }
0x81: {  	v21 =	vor.u32 v4, v17;
	_ =	sdelay $0x2  }
0x82: {  	v18 =	vmax.f32 v18, v19  }
0x83: {  	[tilespmem:v20+s10+$0x0] =	vst.idx.msk $0xffff, v18  }
0x84: {  	v18 =	vld.idx.msk [tilespmem:v21+s10+$0x0], $0xffff  }
0x85: {  	v19 =	vld [tilespmem:s15+$0xFFFFFFB0];
	_ =	sdelay $0x1  }
0x86: {  	v20 =	vor.u32 v5, v17;
	_ =	sdelay $0x2  }
0x87: {  	v18 =	vmax.f32 v18, v19  }
0x88: {  	[tilespmem:v21+s10+$0x0] =	vst.idx.msk $0xffff, v18  }
0x89: {  	v18 =	vld.idx.msk [tilespmem:v20+s10+$0x0], $0xffff  }
0x8a: {  	v19 =	vld [tilespmem:s15+$0xFFFFFFC0];
	_ =	sdelay $0x1  }
0x8b: {  	v21 =	vor.u32 v6, v17;
	_ =	sdelay $0x2  }
0x8c: {  	v18 =	vmax.f32 v18, v19  }
0x8d: {  	[tilespmem:v20+s10+$0x0] =	vst.idx.msk $0xffff, v18  }
0x8e: {  	v18 =	vld.idx.msk [tilespmem:v21+s10+$0x0], $0xffff  }
0x8f: {  	v19 =	vld [tilespmem:s15+$0xFFFFFFD0];
	_ =	sdelay $0x1  }
0x90: {  	v20 =	vor.u32 v7, v17;
	_ =	sdelay $0x2  }
0x91: {  	v18 =	vmax.f32 v18, v19  }
0x92: {  	[tilespmem:v21+s10+$0x0] =	vst.idx.msk $0xffff, v18  }
0x93: {  	v18 =	vld.idx.msk [tilespmem:v20+s10+$0x0], $0xffff  }
0x94: {  	v19 =	vld [tilespmem:s15+$0xFFFFFFE0];
	_ =	sdelay $0x1  }
0x95: {  	v21 =	vor.u32 v8, v17;
	_ =	sdelay $0x2  }
0x96: {  	v18 =	vmax.f32 v18, v19  }
0x97: {  	[tilespmem:v20+s10+$0x0] =	vst.idx.msk $0xffff, v18  }
0x98: {  	v18 =	vld.idx.msk [tilespmem:v21+s10+$0x0], $0xffff  }
0x99: {  	v19 =	vld [tilespmem:s15+$0xFFFFFFF0];
	_ =	sdelay $0x1  }
0x9a: {  	v20 =	vor.u32 v9, v17;
	_ =	sdelay $0x2  }
0x9b: {  	v18 =	vmax.f32 v18, v19  }
0x9c: {  	[tilespmem:v21+s10+$0x0] =	vst.idx.msk $0xffff, v18  }
0x9d: {  	v18 =	vld.idx.msk [tilespmem:v20+s10+$0x0], $0xffff  }
0x9e: {  	v19 =	vld [tilespmem:s15+$0x0];
	_ =	sdelay $0x1  }
0x9f: {  	v21 =	vor.u32 v10, v17;
	_ =	sdelay $0x2  }
0xa0: {  	v18 =	vmax.f32 v18, v19  }
0xa1: {  	[tilespmem:v20+s10+$0x0] =	vst.idx.msk $0xffff, v18  }
0xa2: {  	v18 =	vld.idx.msk [tilespmem:v21+s10+$0x0], $0xffff  }
0xa3: {  	v19 =	vld [tilespmem:s15+$0x10];
	_ =	sdelay $0x1  }
0xa4: {  	v20 =	vor.u32 v11, v17;
	_ =	sdelay $0x2  }
0xa5: {  	v18 =	vmax.f32 v18, v19  }
0xa6: {  	[tilespmem:v21+s10+$0x0] =	vst.idx.msk $0xffff, v18  }
0xa7: {  	v18 =	vld.idx.msk [tilespmem:v20+s10+$0x0], $0xffff  }
0xa8: {  	v19 =	vld [tilespmem:s15+$0x20];
	_ =	sdelay $0x1  }
0xa9: {  	v21 =	vor.u32 v12, v17;
	_ =	sdelay $0x2  }
0xaa: {  	v18 =	vmax.f32 v18, v19  }
0xab: {  	[tilespmem:v20+s10+$0x0] =	vst.idx.msk $0xffff, v18  }
0xac: {  	v18 =	vld.idx.msk [tilespmem:v21+s10+$0x0], $0xffff  }
0xad: {  	v19 =	vld [tilespmem:s15+$0x30];
	_ =	sdelay $0x1  }
0xae: {  	v20 =	vor.u32 v13, v17;
	_ =	sdelay $0x2  }
0xaf: {  	v18 =	vmax.f32 v18, v19  }
0xb0: {  	[tilespmem:v21+s10+$0x0] =	vst.idx.msk $0xffff, v18  }
0xb1: {  	v18 =	vld.idx.msk [tilespmem:v20+s10+$0x0], $0xffff  }
0xb2: {  	v19 =	vld [tilespmem:s15+$0x40];
	_ =	sdelay $0x1  }
0xb3: {  	v21 =	vor.u32 v14, v17;
	_ =	sdelay $0x2  }
0xb4: {  	v18 =	vmax.f32 v18, v19  }
0xb5: {  	[tilespmem:v20+s10+$0x0] =	vst.idx.msk $0xffff, v18  }
0xb6: {  	v18 =	vld.idx.msk [tilespmem:v21+s10+$0x0], $0xffff  }
0xb7: {  	v19 =	vld [tilespmem:s15+$0x50];
	_ =	sdelay $0x1  }
0xb8: {  	v20 =	vor.u32 v15, v17;
	_ =	sdelay $0x2  }
0xb9: {  	v18 =	vmax.f32 v18, v19  }
0xba: {  	[tilespmem:v21+s10+$0x0] =	vst.idx.msk $0xffff, v18  }
0xbb: {  	v18 =	vld.idx.msk [tilespmem:v20+s10+$0x0], $0xffff  }
0xbc: {  	v19 =	vld [tilespmem:s15+$0x60];
	_ =	sdelay $0x1  }
0xbd: {  	v17 =	vor.u32 v16, v17;
	_ =	sdelay $0x2  }
0xbe: {  	v18 =	vmax.f32 v18, v19  }
0xbf: {  	[tilespmem:v20+s10+$0x0] =	vst.idx.msk $0xffff, v18  }
0xc0: {  	v19 =	vld.idx.msk [tilespmem:v17+s10+$0x0], $0xffff  }
0xc1: {  	v20 =	vld [tilespmem:s15+$0x70]  }
.Ltmp1:
0xc2: {  	s17 =	sadd.s32 s17, s13;
	(pc) =	sbr.rel @p0 .LBB2_5-.Ltmp1, $2  }
0xc3: {  	v18 =	vmov s17;
	_ =	sdelay $0x2  }
0xc4: {  	v19 =	vmax.f32 v19, v20  }
0xc5: {  	_ =	sdelay $0x3  }
0xc6: {  	[tilespmem:v17+s10+$0x0] =	vst.idx.msk $0xffff, v19  }
0xc7: {  	v17 =	vld.idx.msk [tilespmem:v18+s2+$0x0], $0xffff;
	_ =	sdelay $0x4  }
0xc8: {  	v17 =	vshll.u32 v17, $0x8  }
0xc9: {  	v18 =	vor.u32 v1, v17;
	_ =	sdelay $0x2  }
0xca: {  	s15 =	sadd.s32 $0x100, s15  }
0xcb: {  	v20 =	vld [tilespmem:s15+$0xFFFFFF80]  }
0xcc: {  	v19 =	vld.idx.msk [tilespmem:v18+s10+$0x0], $0xffff;
	_ =	sdelay $0x1  }
0xcd: {  	v21 =	vor.u32 v2, v17;
	_ =	sdelay $0x2  }
0xce: {  	v19 =	vmax.f32 v19, v20  }
0xcf: {  	[tilespmem:v18+s10+$0x0] =	vst.idx.msk $0xffff, v19  }
0xd0: {  	v18 =	vld.idx.msk [tilespmem:v21+s10+$0x0], $0xffff  }
0xd1: {  	v19 =	vld [tilespmem:s15+$0xFFFFFF90];
	_ =	sdelay $0x1  }
0xd2: {  	v51 =	vor.u32 v3, v17;
	_ =	sdelay $0x2  }
0xd3: {  	v18 =	vmax.f32 v18, v19  }
0xd4: {  	[tilespmem:v21+s10+$0x0] =	vst.idx.msk $0xffff, v18  }
0xd5: {  	v18 =	vld.idx.msk [tilespmem:v51+s10+$0x0], $0xffff  }
0xd6: {  	v19 =	vld [tilespmem:s15+$0xFFFFFFA0];
	_ =	sdelay $0x1  }
0xd7: {  	v52 =	vor.u32 v4, v17;
	_ =	sdelay $0x2  }
0xd8: {  	v18 =	vmax.f32 v18, v19  }
0xd9: {  	[tilespmem:v51+s10+$0x0] =	vst.idx.msk $0xffff, v18  }
0xda: {  	v18 =	vld.idx.msk [tilespmem:v52+s10+$0x0], $0xffff  }
0xdb: {  	v19 =	vld [tilespmem:s15+$0xFFFFFFB0];
	_ =	sdelay $0x1  }
0xdc: {  	v53 =	vor.u32 v5, v17;
	_ =	sdelay $0x2  }
0xdd: {  	v18 =	vmax.f32 v18, v19  }
0xde: {  	[tilespmem:v52+s10+$0x0] =	vst.idx.msk $0xffff, v18  }
0xdf: {  	v18 =	vld.idx.msk [tilespmem:v53+s10+$0x0], $0xffff  }
0xe0: {  	v19 =	vld [tilespmem:s15+$0xFFFFFFC0];
	_ =	sdelay $0x1  }
0xe1: {  	v54 =	vor.u32 v6, v17;
	_ =	sdelay $0x2  }
0xe2: {  	v18 =	vmax.f32 v18, v19  }
0xe3: {  	[tilespmem:v53+s10+$0x0] =	vst.idx.msk $0xffff, v18  }
0xe4: {  	v18 =	vld.idx.msk [tilespmem:v54+s10+$0x0], $0xffff  }
0xe5: {  	v19 =	vld [tilespmem:s15+$0xFFFFFFD0];
	_ =	sdelay $0x1  }
0xe6: {  	v55 =	vor.u32 v7, v17;
	_ =	sdelay $0x2  }
0xe7: {  	v18 =	vmax.f32 v18, v19  }
0xe8: {  	[tilespmem:v54+s10+$0x0] =	vst.idx.msk $0xffff, v18  }
0xe9: {  	v18 =	vld.idx.msk [tilespmem:v55+s10+$0x0], $0xffff  }
0xea: {  	v19 =	vld [tilespmem:s15+$0xFFFFFFE0];
	_ =	sdelay $0x1  }
0xeb: {  	v56 =	vor.u32 v8, v17;
	_ =	sdelay $0x2  }
0xec: {  	v18 =	vmax.f32 v18, v19  }
0xed: {  	[tilespmem:v55+s10+$0x0] =	vst.idx.msk $0xffff, v18  }
0xee: {  	v18 =	vld.idx.msk [tilespmem:v56+s10+$0x0], $0xffff  }
0xef: {  	v19 =	vld [tilespmem:s15+$0xFFFFFFF0];
	_ =	sdelay $0x1  }
0xf0: {  	v57 =	vor.u32 v9, v17;
	_ =	sdelay $0x2  }
0xf1: {  	v18 =	vmax.f32 v18, v19  }
0xf2: {  	[tilespmem:v56+s10+$0x0] =	vst.idx.msk $0xffff, v18  }
0xf3: {  	v18 =	vld.idx.msk [tilespmem:v57+s10+$0x0], $0xffff  }
0xf4: {  	v19 =	vld [tilespmem:s15+$0x0];
	_ =	sdelay $0x1  }
0xf5: {  	v58 =	vor.u32 v10, v17;
	_ =	sdelay $0x2  }
0xf6: {  	v18 =	vmax.f32 v18, v19  }
0xf7: {  	[tilespmem:v57+s10+$0x0] =	vst.idx.msk $0xffff, v18  }
0xf8: {  	v18 =	vld.idx.msk [tilespmem:v58+s10+$0x0], $0xffff  }
0xf9: {  	v19 =	vld [tilespmem:s15+$0x10];
	_ =	sdelay $0x1  }
0xfa: {  	v59 =	vor.u32 v11, v17;
	_ =	sdelay $0x2  }
0xfb: {  	v18 =	vmax.f32 v18, v19  }
0xfc: {  	[tilespmem:v58+s10+$0x0] =	vst.idx.msk $0xffff, v18  }
0xfd: {  	v18 =	vld.idx.msk [tilespmem:v59+s10+$0x0], $0xffff  }
0xfe: {  	v19 =	vld [tilespmem:s15+$0x20];
	_ =	sdelay $0x1  }
0xff: {  	v60 =	vor.u32 v12, v17;
	_ =	sdelay $0x2  }
0x100: {  	v18 =	vmax.f32 v18, v19  }
0x101: {  	[tilespmem:v59+s10+$0x0] =	vst.idx.msk $0xffff, v18  }
0x102: {  	v18 =	vld.idx.msk [tilespmem:v60+s10+$0x0], $0xffff  }
0x103: {  	v19 =	vld [tilespmem:s15+$0x30];
	_ =	sdelay $0x1  }
0x104: {  	v61 =	vor.u32 v13, v17;
	_ =	sdelay $0x2  }
0x105: {  	v18 =	vmax.f32 v18, v19  }
0x106: {  	[tilespmem:v60+s10+$0x0] =	vst.idx.msk $0xffff, v18  }
0x107: {  	v18 =	vld.idx.msk [tilespmem:v61+s10+$0x0], $0xffff  }
0x108: {  	v19 =	vld [tilespmem:s15+$0x40];
	_ =	sdelay $0x1  }
0x109: {  	v62 =	vor.u32 v14, v17;
	_ =	sdelay $0x2  }
0x10a: {  	v18 =	vmax.f32 v18, v19  }
0x10b: {  	[tilespmem:v61+s10+$0x0] =	vst.idx.msk $0xffff, v18  }
0x10c: {  	v18 =	vld.idx.msk [tilespmem:v62+s10+$0x0], $0xffff  }
0x10d: {  	v19 =	vld [tilespmem:s15+$0x50];
	_ =	sdelay $0x1  }
0x10e: {  	v63 =	vor.u32 v15, v17;
	_ =	sdelay $0x2  }
0x10f: {  	v18 =	vmax.f32 v18, v19  }
0x110: {  	[tilespmem:v62+s10+$0x0] =	vst.idx.msk $0xffff, v18  }
0x111: {  	v18 =	vld.idx.msk [tilespmem:v63+s10+$0x0], $0xffff  }
0x112: {  	v19 =	vld [tilespmem:s15+$0x60];
	_ =	sdelay $0x1  }
0x113: {  	v17 =	vor.u32 v16, v17;
	_ =	sdelay $0x2  }
0x114: {  	v18 =	vmax.f32 v18, v19  }
0x115: {  	[tilespmem:v63+s10+$0x0] =	vst.idx.msk $0xffff, v18  }
0x116: {  	v18 =	vld.idx.msk [tilespmem:v17+s10+$0x0], $0xffff  }
0x117: {  	s14 =	sadd.s32 $0x1, s14;
	v19 =	vld [tilespmem:s15+$0x70]  }
0x118: {  	p0 =	sne.s32 s14, $0x5  }
.Ltmp2:
0x119: {  	_ = 	snop;
	(pc) =	sbr.rel @p0 .LBB2_4-.Ltmp2, $3  }
0x11a: {  	_ =	sdelay $0x1  }
0x11b: {  	v18 =	vmax.f32 v18, v19  }
0x11c: {  	s13 =	sadd.s32 $0x40, s13;
	[tilespmem:v17+s10+$0x0] =	vst.idx.msk $0xffff, v18  }
0x11d: {  	s11 =	sadd.s32 $0x1, s11  }
0x11e: {  	p0 =	sne.s32 s11, s7  }
.Ltmp3:
0x11f: {  	_ = 	snop;
	(pc) =	sbr.rel @p0 .LBB2_1-.Ltmp3, $4  }
0x120: {  	[hbm4b:s6+s2] =	stream.linear.scatter [tilespmem:s10], [sflag:$0x1], $0x10000, $0x38;
	[tilespmem:$0x14180] =	vst v63  }
0x121: {  	_ =	swait.ge [sflag:s8], $0x10000  }
0x122: {  	[sflag:s8] =	ssyncset.done $0x0  }
0x123: {  	[sflag:s8] =	ssyncadd.s32 $0xFFFF0000  }
0x124: {  	_ =	sfence.sel $0x180000  }
0x125: {  	[bflag:$0x0] =	sbarrier.arrive $0xFFFF  }
0x126: {  	p0 =	sne.s32 s1, $0x0;
	_ =	strace $0x9000004D  }
0x127: {  	s0 =	sadd.s32 @!p0 $0x100000, s0;
	[bflag:$0x2] =	sbarrier.arrive $0xFFFF  }
0x128: {  	[sflag:s0] =	ssyncadd.tile.s32 @!p0 $0x1;
	_ =	shalt  }
.Lfunc_end2:
_tile_overlayer_lowered:
.L_overlay_start_2:
0x129: {  	(tag) =	ssettag $0x2  }
0x12a: {  	s0 =	rddreg [dreg:$0x0];
	s2 =	stileid.u32  }
0x12b: {  	s1 =	rddreg [dreg:$0x1];
	p0 =	sne.s32 s2, $0x0  }
0x12c: {  	s3 =	rddreg [dreg:$0x2];
	[bflag:$0x3] =	sbarrier.arrive $0xFFFF;
	s2 =	simm.s32 @!p0 $0x1C01  }
0x12d: {  	[timem:s3], [sflag:s2] =	dma.local @!p0 [hbm:s0], s1  }
0x12e: {  	s0 =	simm.s32 @!p0 $0x1  }
0x12f: {  	_ =	swait.ge @!p0 [sflag:s0], s1  }
0x130: {  	s1 =	ssub.s32 @!p0 $0x0, s1;
	[sflag:s0] =	ssyncset.done @!p0 $0x0  }
0x131: {  	[sflag:s0] =	ssyncadd.s32 @!p0 s1  }
0x132: {  	[bflag:$0x3] =	sbarrier.arrive $0xFFFF  }
0x133: {  	_ =	shalt  }

// kernel: kernel.8.cloned.1.call-start
scs
__scs_entry_jumppad:
0x0: {  	(pc) =	sbr.rel $0x88, $3  }
0x1: {  	(tag) =	ssettag $0x0;
	lr =	simm.s32 $0x1  }
0x2: {  	[smem:$0x3F90] =	sst lr;
	_ =	strace $0xD0000000  }
0x3: {  	_ = 	snop  }
0x4: {  	_ = 	snop  }
0x5: {  	_ = 	snop  }
0x6: {  	_ = 	snop  }
0x7: {  	_ = 	snop  }
__scs_overlays_trampoline_lowered:
0x8: {  	[smem:$0x3F9F] =	sst s0  }
0x9: {  	[smem:$0x3FA0] =	sst s1  }
0xa: {  	[smem:$0x3FA1] =	sst s2  }
0xb: {  	[smem:$0x3FA2] =	sst s3  }
0xc: {  	[smem:$0x3FA3] =	sst s4  }
0xd: {  	[smem:$0x3FA4] =	sst s5  }
0xe: {  	[smem:$0x3FA5] =	sst s6  }
0xf: {  	[smem:$0x3FA6] =	sst s7  }
0x10: {  	[smem:$0x3FA7] =	sst s8  }
0x11: {  	[smem:$0x3FA8] =	sst s9;
	s0 =	simm.s32 @!p0 $0x0  }
0x12: {  	s1 =	sld [smem:$0x3F8E];
	s0 =	simm.s32 @p0 $0x1  }
0x13: {  	[smem:$0x3FA9] =	sst s0;
	s0 =	simm.s32 @!p1 $0x0  }
0x14: {  	s2 =	sld [smem:$0x3F8D];
	s0 =	simm.s32 @p1 $0x1  }
0x15: {  	[smem:$0x3FAA] =	sst s0;
	s0 =	simm.s32 @!p2 $0x0  }
0x16: {  	s3 =	sld [smem:$0x3FDB];
	s0 =	simm.s32 @p2 $0x1  }
0x17: {  	s4 =	simm.s32 $0x1BF5;
	[smem:$0x3FAC] =	sst s0  }
0x18: {  	s0 =	sld [smem:$0x3F8F];
	_ =	swait.ge [sflag:s4], $0x0  }
0x19: {  	s7 =	sld [smem:$0x3F90]  }
0x1a: {  	s8 =	sadd.s32 $0xFFFFE003, lr  }
0x1b: {  	s9 =	sadd.s32 $0xFFFFFEF7, lr;
	s5 =	simm.s32 $0xFFFFFFFF;
	p2 =	slt.u32 s8, $0xFFFFF086  }
0x1c: {  	p1 =	slt.u32 s9, $0xF7A;
	s5 =	simm.s32 @!p2 $0x0  }
0x1d: {  	s5 =	simm.s32 @p1 $0x1;
	p0 =	seq.s32 s7, s2  }
0x1e: {  	s7 =	smul.u32 @!p0 $0xF7A, s2;
	p2 =	seq.s32 @!p0 s5, $0x0  }
0x1f: {  	s9 =	smul.u32 $0xF7A, s1;
	s8 =	simm.s32 @!p0 $0x1BF5;
	p2 =	por !p2, p0  }
0x20: {  	[sflag:s8] =	ssyncset.s32 @!p0 $0xFFFFF086;
	s6 =	sadd.s32 @!p0 s3, s7;
	s7 =	simm.s32 @!p0 $0x108  }
0x21: {  	s3 =	sadd.s32 s3, s9;
	s6 =	sadd.s32 @!p0 $0x88, s6;
	s7 =	simm.s32 @p2 $0x1082  }
0x22: {  	[simem:s7], [sflag:s8] =	dma.local @!p0 [hbm:s6], $0xF7A  }
0x23: {  	s9 =	sor.u32 $0xD0000000, s2;
	s6 =	simm.s32 $0x108;
	_ =	swait.ge @!p0 [sflag:s8], $0x0  }
0x24: {  	s3 =	sadd.s32 $0x88, s3;
	s6 =	simm.s32 @!p1 $0x1082;
	[sflag:s4] =	ssyncset.s32 $0xFFFFF086  }
0x25: {  	[simem:s6], [sflag:s4] =	dma.local [hbm:s3], $0xF7A  }
0x26: {  	[smem:$0x3F90] =	sst s1;
	(tag) =	ssettag s2;
	_ =	strace s9  }
0x27: {  	s1 =	sld [smem:$0x3FA0]  }
0x28: {  	s2 =	sld [smem:$0x3FA1]  }
0x29: {  	s4 =	sld [smem:$0x3FA3]  }
0x2a: {  	p0 =	seq.s32 s5, $0x0;
	s5 =	sld [smem:$0x3FA4]  }
0x2b: {  	s6 =	sld [smem:$0x3FA5]  }
0x2c: {  	s7 =	sld [smem:$0x3FA6]  }
0x2d: {  	s3 =	simm.s32 $0x108;
	s8 =	sld [smem:$0x3FA7]  }
0x2e: {  	s3 =	simm.s32 @!p0 $0x1082;
	s9 =	sld [smem:$0x3FA8]  }
0x2f: {  	lr =	sadd.s32 s0, s3;
	s0 =	sld [smem:$0x3F9F]  }
0x30: {  	s3 =	sld [smem:$0x3FA2]  }
0x31: {  	[smem:$0x3FAB] =	sst s10  }
0x32: {  	s10 =	sld [smem:$0x3FA9];
	_ =	sdelay $0x3  }
0x33: {  	p0 =	seq.s32 s10, $0x1;
	s10 =	sld [smem:$0x3FAB];
	_ =	sdelay $0x3  }
0x34: {  	[smem:$0x3FAB] =	sst s10  }
0x35: {  	s10 =	sld [smem:$0x3FAA];
	_ =	sdelay $0x3  }
0x36: {  	p1 =	seq.s32 s10, $0x1;
	s10 =	sld [smem:$0x3FAB];
	_ =	sdelay $0x3  }
0x37: {  	[smem:$0x3FAB] =	sst s10  }
0x38: {  	s10 =	sld [smem:$0x3FAC]  }
0x39: {  	_ = 	snop;
	(pc) =	sbr.ind lr, $3  }
0x3a: {  	_ = 	snop  }
0x3b: {  	_ = 	snop  }
0x3c: {  	p2 =	seq.s32 s10, $0x1;
	s10 =	sld [smem:$0x3FAB]  }
0x3d: {  	_ =	shalt  }
0x3e: {  	_ =	shalt  }
0x3f: {  	_ =	shalt  }
0x40: {  	_ =	shalt  }
0x41: {  	_ =	shalt  }
0x42: {  	_ =	shalt  }
0x43: {  	_ =	shalt  }
0x44: {  	_ =	shalt  }
0x45: {  	_ =	shalt  }
0x46: {  	_ =	shalt  }
0x47: {  	_ =	shalt  }
0x48: {  	_ =	shalt  }
0x49: {  	_ =	shalt  }
0x4a: {  	_ =	shalt  }
0x4b: {  	_ =	shalt  }
0x4c: {  	_ =	shalt  }
0x4d: {  	_ =	shalt  }
0x4e: {  	_ =	shalt  }
0x4f: {  	_ =	shalt  }
0x50: {  	_ =	shalt  }
0x51: {  	_ =	shalt  }
0x52: {  	_ =	shalt  }
0x53: {  	_ =	shalt  }
0x54: {  	_ =	shalt  }
0x55: {  	_ =	shalt  }
0x56: {  	_ =	shalt  }
0x57: {  	_ =	shalt  }
0x58: {  	_ =	shalt  }
0x59: {  	_ =	shalt  }
0x5a: {  	_ =	shalt  }
0x5b: {  	_ =	shalt  }
0x5c: {  	_ =	shalt  }
0x5d: {  	_ =	shalt  }
0x5e: {  	_ =	shalt  }
0x5f: {  	_ =	shalt  }
0x60: {  	_ =	shalt  }
0x61: {  	_ =	shalt  }
0x62: {  	_ =	shalt  }
0x63: {  	_ =	shalt  }
0x64: {  	_ =	shalt  }
0x65: {  	_ =	shalt  }
0x66: {  	_ =	shalt  }
0x67: {  	_ =	shalt  }
0x68: {  	_ =	shalt  }
0x69: {  	_ =	shalt  }
0x6a: {  	_ =	shalt  }
0x6b: {  	_ =	shalt  }
0x6c: {  	_ =	shalt  }
0x6d: {  	_ =	shalt  }
0x6e: {  	_ =	shalt  }
0x6f: {  	_ =	shalt  }
0x70: {  	_ =	shalt  }
0x71: {  	_ =	shalt  }
0x72: {  	_ =	shalt  }
0x73: {  	_ =	shalt  }
0x74: {  	_ =	shalt  }
0x75: {  	_ =	shalt  }
0x76: {  	_ =	shalt  }
0x77: {  	_ =	shalt  }
0x78: {  	_ =	shalt  }
0x79: {  	_ =	shalt  }
0x7a: {  	_ =	shalt  }
0x7b: {  	_ =	shalt  }
0x7c: {  	_ =	shalt  }
0x7d: {  	_ =	shalt  }
0x7e: {  	_ =	shalt  }
0x7f: {  	_ =	shalt  }
0x80: {  	_ =	shalt  }
0x81: {  	_ =	shalt  }
0x82: {  	_ =	shalt  }
0x83: {  	_ =	shalt  }
0x84: {  	_ =	shalt  }
0x85: {  	_ =	shalt  }
0x86: {  	_ =	shalt  }
0x87: {  	_ =	shalt  }
.Lfunc_end0:
.L_simem_size_0:
called_computation_lowered:
.L_overlay_start_0:
0x88: {  	s2 =	sld [smem:$0x3FD9]  }
0x89: {  	s3 =	sld [smem:$0x3FFE];
	_ =	sdelay $0x1  }
0x8a: {  	s1 =	srdreg.scid  }
0x8b: {  	s0 =	sand.u32 $0x1, s1  }
0x8c: {  	s16 =	sshll.u32 s0, $0xA;
	s2 =	sadd.s32 s3, s2  }
0x8d: {  	s2 =	sadd.s32 s2, s16  }
0x8e: {  	[smem:$0x3FB7] =	sst s2  }
0x8f: {  	_ = 	snop  }
0x90: {  	(tm) =	ssettm $0x1  }
0x91: {  	s17 =	sld [smem:$0x3FFB];
	_ =	sdelay $0x3  }
0x92: {  	_ =	strace s17  }
0x93: {  	s2 =	sld [smem:$0x3FFC];
	_ =	sdelay $0x3  }
0x94: {  	_ =	strace s2  }
0x95: {  	s2 =	sld [smem:$0x3FFD];
	_ =	sdelay $0x3  }
0x96: {  	_ =	strace s2  }
0x97: {  	_ =	strace $0x8FFFFFFF  }
0x98: {  	s18 =	sld [smem:$0x3FDB];
	_ =	sdelay $0x1  }
0x99: {  	s19 =	simm.s32 $_scs_section_size  }
0x9a: {  	s4 =	simm.s32 $_size__tile_overlayer_lowered;
	s5 =	simm.s32 $_tile_overlayer_lowered  }
0x9b: {  	s22 =	simm.s32 $0x1BFF;
	s21 =	sshll.u32 s5, $0x1;
	s2 =	sadd.s32 s19, s18  }
0x9c: {  	s6 =	simm.s32 $0x0;
	s20 =	sshll.u32 s4, $0x1;
	s4 =	sadd.s32 s21, s2  }
0x9d: {  	[timem:s6], [sflag:s22] =	dma.local [hbm:s4], s20  }
0x9e: {  	_ =	swait.ge [sflag:s22], s20  }
0x9f: {  	s3 =	ssub.s32 $0x0, s20;
	[sflag:s22] =	ssyncset.done $0x0  }
0xa0: {  	[sflag:s22] =	ssyncadd.s32 s3;
	_ =	sdelay $0x1  }
0xa1: {  	s23 =	simm.s32 $0x1B8B  }
0xa2: {  	_ =	swait.ge [sflag:s23], $0x1  }
0xa3: {  	[sflag:s23] =	ssyncset.done $0x0  }
0xa4: {  	s25 =	simm.s32 $0x1B8E;
	s24 =	sld [smem:$0x3FFE];
	[sflag:s23] =	ssyncadd.s32 $0xFFFFFFFF  }
0xa5: {  	s26 =	simm.s32 $execute0_lowered;
	[smem:$0x3FD2] =	sst s25  }
0xa6: {  	s4 =	sshll.u32 s26, $0x1;
	_ =	strace $0x80000046;
	[dreg:$0x1] =	wrdreg $0xFFFFFFFF  }
0xa7: {  	s28 =	simm.s32 $_size_execute0_lowered;
	s2 =	sadd.s32 s2, s4;
	[dreg:$0x0] =	wrdreg $0x0  }
0xa8: {  	s4 =	sshll.u32 s28, $0x1;
	[dreg:$0x2] =	wrdreg s2  }
0xa9: {  	[dreg:$0x3] =	wrdreg s4  }
0xaa: {  	[dreg:$0x4] =	wrdreg $0xC0  }
0xab: {  	_ =	task [dreg:s6], $0x5FFFF  }
0xac: {  	[dreg:$0x1] =	wrdreg $0xFFFFFFFF  }
0xad: {  	[dreg:$0x0] =	wrdreg $0x60  }
0xae: {  	[dreg:$0x2] =	wrdreg s24  }
0xaf: {  	[dreg:$0x3] =	wrdreg $0x82000  }
0xb0: {  	[dreg:$0x4] =	wrdreg $0x9  }
0xb1: {  	_ =	task.clear_ibuf [dreg:s6], $0x5FFFF;
	_ =	strace $0x90000046  }
0xb2: {  	s29 =	simm.s32 $0x9;
	_ =	strace $0x80000048  }
0xb3: {  	_ =	swait.ge [sflag:s29], $0x1  }
0xb4: {  	[sflag:s29] =	ssyncadd.s32 $0xFFFFFFFF  }
0xb5: {  	_ =	strace $0x90000048  }
0xb6: {  	_ =	sfence  }
0xb7: {  	s30 =	sld [smem:$0x0];
	_ =	sdelay $0x2  }
0xb8: {  	s31 =	sshll.u32 s1, $0xD;
	s1 =	sshrl.u32 s1, $0x2  }
0xb9: {  	s3 =	sand.u32 $0x4000, s31;
	s1 =	sadd.s32 s1, s30  }
0xba: {  	s0 =	sor.u32 s3, s0;
	s1 =	sshll.u32 s1, $0x11  }
0xbb: {  	s0 =	sor.u32 s1, s0  }
0xbc: {  	s0 =	sadd.s32 $0x8F2B, s0  }
0xbd: {  	[sflag:s0] =	ssyncadd.remote.s32 $0x1  }
0xbe: {  	_ =	sfence.sel $0xFFFF  }
0xbf: {  	[dreg:$0x0] =	wrdreg $0xFFFFFFFF;
	(pc) =	sbr.abs _section_cstart, $3  }
0xc0: {  	[dreg:$0x1] =	wrdreg $0xFFFFFFFF  }
0xc1: {  	_ =	task.clear_ibuf [dreg:s6], $0x2FFFF;
	_ =	strace $0x9FFFFFFF  }
0xc2: {  	(tm) =	ssettm $0x7FFFFFFF  }
0xc3: {  	_ =	shalt  }
tec
execute0_lowered:
.L_overlay_start_1:
0x0: {  	(tag) =	ssettag $0x1  }
0x1: {  	s0 =	rddreg [dreg:$0x0]  }
0x2: {  	s1 =	rddreg [dreg:$0x1];
	s3 =	simm.s32 $0x0;
	s2 =	stileid.u32  }
0x3: {  	s5 =	srdreg.scid;
	s18 =	simm.s32 $0x100;
	s28 =	simm.s32 $0x7  }
0x4: {  	s29 =	simm.s32 $0x2;
	s30 =	simm.s32 $0x6;
	s31 =	simm.s32 $0x0  }
0x5: {  	[smem:$0x7FF] =	sst s3;
	s4 =	sadd.s32 $0x2A00, s0;
	s6 =	smul.u32 $0x3E80, s2  }
0x6: {  	s15 =	sadd.s32 $0x2A000, s0;
	s5 =	sand.u32 $0x1, s5;
	s10 =	smul.u32 $0x7D000, s2  }
0x7: {  	s14 =	sadd.s32 $0x34000, s0;
	s22 =	smul.u32 $0x2800, s2;
	p0 =	sgt.u32 s2, $0x9  }
0x8: {  	_ =	strace $0x80000047;
	s7 =	smul.u32 $0x27100, s5;
	s8 =	sshll.u32 s5, $0x4  }
0x9: {  	s19 =	ssub.s32 $0x2, s5;
	s11 =	smul.u32 $0x28000, s5;
	s9 =	sadd.s32 s6, s0  }
0xa: {  	s8 =	sor.u32 s2, s8;
	s20 =	sshrl.u32 s19, $0x1;
	s21 =	sshrl.u32 s10, $0x2  }
0xb: {  	s6 =	sadd.s32 s6, s7;
	s8 =	smul.u32 $0x2800, s8;
	s12 =	ssub.s32 s19, s20  }
0xc: {  	s17 =	sadd.s32 s21, s1;
	s23 =	sadd.s32 $0x3E000, s9;
	s13 =	sadd.s32 s22, s11  }
0xd: {  	s19 =	simm.s32 $0x80;
	s20 =	simm.s32 $0x180;
	s21 =	simm.s32 $0x3  }
0xe: {  	s22 =	simm.s32 $0x200;
	s0 =	sadd.s32 s6, s0;
	[dreg:$0x3] =	wrdreg s23  }
0xf: {  	s11 =	sor.u32 $0x180, s13;
	s16 =	sor.u32 $0x100, s13;
	s17 =	sshrl.u32 @!p0 s17, $0x3  }
0x10: {  	s23 =	simm.s32 $0x4;
	s8 =	sshrl.u32 s8, $0x3;
	s10 =	sadd.s32 $0x65200, s0  }
0x11: {  	s25 =	sshrl.u32 s11, $0x3;
	s11 =	smax.u32 s12, $0x1;
	s26 =	sshrl.u32 s16, $0x3  }
.Ltmp0:
0x12: {  	s0 =	sshll.u32 @!p0 s2, $0x6;
	s6 =	sadd.s32 s15, s8;
	(pc) =	sbr.rel .LBB2_1-.Ltmp0, $4  }
0x13: {  	s24 =	sor.u32 $0x10, s8;
	s7 =	sadd.s32 s14, s8;
	s12 =	sadd.s32 s25, s14  }
0x14: {  	s13 =	sadd.s32 s25, s15;
	s16 =	sor.u32 @!p0 $0x1C07, s0;
	s25 =	simm.s32 $0x1  }
0x15: {  	s8 =	sadd.s32 s15, s24;
	s9 =	sadd.s32 s14, s24;
	s14 =	sadd.s32 s26, s14  }
0x16: {  	s15 =	sadd.s32 s26, s15;
	s24 =	simm.s32 $0x4200;
	s26 =	simm.s32 $0x5  }
.LBB2_4:
0x17: {  	_ =	swait.ge [sflag:s29], $0x4000  }
0x18: {  	[sflag:s29] =	ssyncset.done $0x0  }
0x19: {  	[sflag:s29] =	ssyncadd.s32 $0xFFFFC000  }
0x1a: {  	_ =	swait.ge [sflag:s30], $0x80  }
0x1b: {  	[sflag:s30] =	ssyncset.done $0x0  }
0x1c: {  	[sflag:s30] =	ssyncadd.s32 $0xFFFFFF80  }
0x1d: {  	[spmem:s1] =	stream.indirect.scatter.add.f32 [tilespmem:s24], [sflag:$0x7], $0x80, s20, s19, $0xb8;
	[tilespmem:$0x1BA80] =	vst v63  }
0x1e: {  	_ =	swait.ge [sflag:s28], $0x4000  }
0x1f: {  	s31 =	sadd.s32 $0x1, s31;
	[sflag:s28] =	ssyncset.done $0x0  }
0x20: {  	p1 =	sne.s32 s31, s11;
	[sflag:s28] =	ssyncadd.s32 $0xFFFFC000  }
.Ltmp1:
0x21: {  	s0 =	simm.s32 @!p0 $0x7;
	[bflag:$0x0] =	sbarrier.arrive $0xFFFF;
	(pc) =	sbr.rel @!p1 .LBB2_5-.Ltmp1, $4  }
0x22: {  	[hbm:s10], [sflag:s16] =	dma.local @!p0 [spmem:s17], $0x3E80  }
0x23: {  	_ =	swait.ge @!p0 [sflag:s0], $0x3E80  }
0x24: {  	[sflag:s0] =	ssyncset.done @!p0 $0x0  }
0x25: {  	[sflag:s0] =	ssyncadd.s32 @!p0 $0xFFFFC180  }
.LBB2_1:
0x26: {  	s0 =	rddreg [dreg:$0x3]  }
0x27: {  	[spmem:s17], [sflag:s16] =	dma.local @!p0 [hbm:s0], $0x3E80  }
0x28: {  	s0 =	simm.s32 @!p0 $0x7  }
0x29: {  	_ =	swait.ge @!p0 [sflag:s0], $0x3E80  }
0x2a: {  	[sflag:s0] =	ssyncset.done @!p0 $0x0  }
0x2b: {  	[sflag:s0] =	ssyncadd.s32 @!p0 $0xFFFFC180  }
0x2c: {  	[bflag:$0x0] =	sbarrier.arrive $0xFFFF  }
0x2d: {  	[tilespmem:s3], [sflag:$0x3] =	stream.linear.gather [hbm4b:s6+s3], $0x80, $0x38;
	[tilespmem:$0x1BA80] =	vst v63  }
0x2e: {  	_ = 	snop  }
0x2f: {  	[tilespmem:s18], [sflag:$0x5] =	stream.linear.gather [hbm4b:s7+s3], $0x80, $0x38;
	[tilespmem:$0x1BA80] =	vst v63  }
0x30: {  	_ = 	snop  }
0x31: {  	[tilespmem:s19], [sflag:$0x4] =	stream.linear.gather [hbm4b:s8+s3], $0x80, $0x38;
	[tilespmem:$0x1BA80] =	vst v63  }
0x32: {  	_ = 	snop  }
0x33: {  	[tilespmem:s20], [sflag:$0x6] =	stream.linear.gather [hbm4b:s9+s3], $0x80, $0x38;
	[tilespmem:$0x1BA80] =	vst v63  }
0x34: {  	_ =	swait.ge [sflag:s21], $0x80  }
0x35: {  	[sflag:s21] =	ssyncset.done $0x0  }
0x36: {  	[sflag:s21] =	ssyncadd.s32 $0xFFFFFF80  }
0x37: {  	[tilespmem:s22], [sflag:$0x1] =	stream.indirect.gather [hbm4b:s4+s19], $0x80, s3, s19, $0xb8;
	[tilespmem:$0x1BA80] =	vst v63  }
0x38: {  	_ =	swait.ge [sflag:s23], $0x80  }
0x39: {  	[sflag:s23] =	ssyncset.done $0x0  }
0x3a: {  	s0 =	simm.s32 $0x0;
	[sflag:s23] =	ssyncadd.s32 $0xFFFFFF80  }
0x3b: {  	[tilespmem:s24], [sflag:$0x2] =	stream.indirect.gather [hbm4b:s4+s19], $0x80, s19, s19, $0xb8;
	[tilespmem:$0x1BA80] =	vst v63  }
.LBB2_2:
0x3c: {  	_ =	swait.ge [sflag:s25], $0x4000  }
0x3d: {  	p1 =	seq.s32 s0, $0x4E0;
	[sflag:s25] =	ssyncset.done $0x0  }
0x3e: {  	s2 =	sadd.s32 @!p1 s0, s15;
	s5 =	simm.s32 @!p1 $0x0;
	[sflag:s25] =	ssyncadd.s32 $0xFFFFC000  }
0x3f: {  	[tilespmem:s5], [sflag:$0x3] =	stream.linear.gather @!p1 [hbm4b:s2+s5], $0x80, $0x38;
	[tilespmem:$0x1BA80] =	vst v63  }
0x40: {  	_ =	swait.ge [sflag:s26], $0x80  }
0x41: {  	[sflag:s26] =	ssyncset.done $0x0  }
.Ltmp2:
0x42: {  	[sflag:s26] =	ssyncadd.s32 $0xFFFFFF80;
	(pc) =	sbr.rel @p1 .LBB2_4-.Ltmp2, $4  }
0x43: {  	[spmem:s1] =	stream.indirect.scatter.add.f32 [tilespmem:s22], [sflag:$0x7], $0x80, s18, s19, $0xb8;
	[tilespmem:$0x1BA80] =	vst v63  }
0x44: {  	_ =	swait.ge [sflag:s28], $0x4000  }
0x45: {  	[sflag:s28] =	ssyncset.done $0x0  }
0x46: {  	[sflag:s28] =	ssyncadd.s32 $0xFFFFC000  }
0x47: {  	s2 =	sadd.s32 s0, s14  }
0x48: {  	[tilespmem:s18], [sflag:$0x5] =	stream.linear.gather [hbm4b:s2+s3], $0x80, $0x38;
	[tilespmem:$0x1BA80] =	vst v63  }
0x49: {  	_ =	swait.ge [sflag:s21], $0x80  }
0x4a: {  	[sflag:s21] =	ssyncset.done $0x0  }
0x4b: {  	[sflag:s21] =	ssyncadd.s32 $0xFFFFFF80  }
0x4c: {  	[tilespmem:s22], [sflag:$0x1] =	stream.indirect.gather [hbm4b:s4+s19], $0x80, s3, s19, $0xb8;
	[tilespmem:$0x1BA80] =	vst v63  }
0x4d: {  	_ =	swait.ge [sflag:s29], $0x4000  }
0x4e: {  	[sflag:s29] =	ssyncset.done $0x0  }
0x4f: {  	s5 =	sadd.s32 s0, s13;
	[sflag:s29] =	ssyncadd.s32 $0xFFFFC000  }
0x50: {  	[tilespmem:s19], [sflag:$0x4] =	stream.linear.gather [hbm4b:s5+s3], $0x80, $0x38;
	[tilespmem:$0x1BA80] =	vst v63  }
0x51: {  	_ =	swait.ge [sflag:s30], $0x80  }
0x52: {  	[sflag:s30] =	ssyncset.done $0x0  }
0x53: {  	[sflag:s30] =	ssyncadd.s32 $0xFFFFFF80  }
0x54: {  	[spmem:s1] =	stream.indirect.scatter.add.f32 [tilespmem:s24], [sflag:$0x7], $0x80, s20, s19, $0xb8;
	[tilespmem:$0x1BA80] =	vst v63  }
0x55: {  	_ =	swait.ge [sflag:s28], $0x4000  }
0x56: {  	[sflag:s28] =	ssyncset.done $0x0  }
0x57: {  	s5 =	sadd.s32 s0, s12;
	[sflag:s28] =	ssyncadd.s32 $0xFFFFC000  }
0x58: {  	[tilespmem:s20], [sflag:$0x6] =	stream.linear.gather [hbm4b:s5+s3], $0x80, $0x38;
	[tilespmem:$0x1BA80] =	vst v63  }
.Ltmp3:
0x59: {  	_ = 	snop;
	(pc) =	sbr.rel .LBB2_2-.Ltmp3, $4  }
0x5a: {  	_ =	swait.ge [sflag:s23], $0x80  }
0x5b: {  	[sflag:s23] =	ssyncset.done $0x0  }
0x5c: {  	s0 =	sadd.s32 $0x20, s0;
	[sflag:s23] =	ssyncadd.s32 $0xFFFFFF80  }
0x5d: {  	[tilespmem:s24], [sflag:$0x2] =	stream.indirect.gather [hbm4b:s4+s19], $0x80, s19, s19, $0xb8;
	[tilespmem:$0x1BA80] =	vst v63  }
.LBB2_5:
0x5e: {  	_ =	sfence.sel $0x180000  }
0x5f: {  	[bflag:$0x0] =	sbarrier.arrive $0xFFFF  }
0x60: {  	_ =	strace $0x90000047  }
0x61: {  	s0 =	stileid.u32;
	[bflag:$0x2] =	sbarrier.arrive $0xFFFF  }
0x62: {  	p0 =	sne.s32 s0, $0x0;
	s0 =	rddreg [dreg:$0x2]  }
0x63: {  	s0 =	sadd.s32 @!p0 $0x100000, s0  }
0x64: {  	[sflag:s0] =	ssyncadd.tile.s32 @!p0 $0x1;
	_ =	shalt  }
.Lfunc_end2:
_tile_overlayer_lowered:
.L_overlay_start_2:
0x65: {  	(tag) =	ssettag $0x2  }
0x66: {  	s0 =	rddreg [dreg:$0x0];
	s2 =	stileid.u32  }
0x67: {  	s1 =	rddreg [dreg:$0x1];
	p0 =	sne.s32 s2, $0x0  }
0x68: {  	s3 =	rddreg [dreg:$0x2];
	[bflag:$0x3] =	sbarrier.arrive $0xFFFF;
	s2 =	simm.s32 @!p0 $0x1C07  }
0x69: {  	[timem:s3], [sflag:s2] =	dma.local @!p0 [hbm:s0], s1  }
0x6a: {  	s0 =	simm.s32 @!p0 $0x7  }
0x6b: {  	_ =	swait.ge @!p0 [sflag:s0], s1  }
0x6c: {  	s1 =	ssub.s32 @!p0 $0x0, s1;
	[sflag:s0] =	ssyncset.done @!p0 $0x0  }
0x6d: {  	[sflag:s0] =	ssyncadd.s32 @!p0 s1  }
0x6e: {  	[bflag:$0x3] =	sbarrier.arrive $0xFFFF  }
0x6f: {  	_ =	shalt  }

</sc_bundles>
